<compile_context>
chip_gen: v7x
topology: tpu7x:2x2x1
jax: 0.10.2.dev20260603
libtpu: 0.0.44.dev20260713+nightly
codegen_flags: <defaults>
</compile_context>

<pallas_src>
import functools

import jax
import jax.numpy as jnp
from jax import lax
from jax.experimental import pallas as pl
from jax.experimental.pallas import tpu as pltpu
from jax.experimental.pallas import tpu_sc as plsc

_info = plsc.get_sparse_core_info()
_NC, _NS, _L = _info.num_cores, _info.num_subcores, _info.num_lanes
_NW = _NC * _NS

_N = 1048576
_PER_W = _N // _NW
_N_MARGINS = 10
_UNROLL = 4
_NCHUNK = 4
_C = _PER_W // _NCHUNK


def _make_sc_call():
    mesh = plsc.VectorSubcoreMesh(core_axis_name="c", subcore_axis_name="s")

    @functools.partial(
        pl.kernel,
        mesh=mesh,
        out_type=jax.ShapeDtypeStruct((_NW, _L), jnp.float32),
        scratch_types=[
            pltpu.VMEM((2, _C), jnp.float32),
            pltpu.VMEM((2, _C), jnp.float32),
            pltpu.VMEM((_L,), jnp.float32),
            pltpu.VMEM((_L,), jnp.float32),
            pltpu.VMEM((_L,), jnp.float32),
            [pltpu.SemaphoreType.DMA] * 2,
            [pltpu.SemaphoreType.DMA] * 2,
        ],
        compiler_params=pltpu.CompilerParams(needs_layout_passes=False),
    )
    def sc_loss(pred_hbm, target_hbm, bins_hbm, margins_hbm, out_hbm,
                pred_v, target_v, bins_v, margins_v, acc_v, sems_p, sems_t):
        wid = lax.axis_index("s") * _NC + lax.axis_index("c")
        base = wid * _PER_W

        def issue(ci):
            b = ci % 2
            cp = pltpu.async_copy(
                pred_hbm.at[pl.ds(base + ci * _C, _C)], pred_v.at[b], sems_p[b])
            ct = pltpu.async_copy(
                target_hbm.at[pl.ds(base + ci * _C, _C)], target_v.at[b], sems_t[b])
            return cp, ct

        copies = [None] * _NCHUNK
        copies[0] = issue(0)
        pltpu.sync_copy(bins_hbm, bins_v.at[pl.ds(0, _N_MARGINS + 1)])
        pltpu.sync_copy(margins_hbm, margins_v.at[pl.ds(0, _N_MARGINS)])

        bvec = bins_v[...]
        b0 = jnp.full((_L,), bvec[0], jnp.float32)
        span = jnp.full((_L,), bvec[_N_MARGINS], jnp.float32) - b0
        scale = jnp.full((_L,), float(_N_MARGINS), jnp.float32) / span
        zero = jnp.zeros((_L,), jnp.float32)
        top = jnp.full((_L,), float(_N_MARGINS - 1), jnp.float32)

        def make_step(b):
            def step(i, accs):
                outs = []
                for u in range(_UNROLL):
                    off = (i * _UNROLL + u) * _L
                    p = pred_v[b, pl.ds(off, _L)]
                    t = target_v[b, pl.ds(off, _L)]
                    x = jnp.minimum(jnp.maximum((t - b0) * scale, zero), top)
                    m = plsc.load_gather(margins_v, [x.astype(jnp.int32)])
                    d = p - t
                    e = jnp.abs(d) - m
                    outs.append(accs[u] + jnp.where(d == zero, zero, e * e))
                return tuple(outs)
            return step

        accs = (zero,) * _UNROLL
        for ci in range(_NCHUNK):
            if ci + 1 < _NCHUNK:
                copies[ci + 1] = issue(ci + 1)
            cp, ct = copies[ci]
            ct.wait()
            cp.wait()
            accs = lax.fori_loop(0, _C // (_L * _UNROLL), make_step(ci % 2),
                                 accs)
        acc = accs[0]
        for u in range(1, _UNROLL):
            acc = acc + accs[u]
        acc_v[...] = acc
        pltpu.sync_copy(acc_v, out_hbm.at[wid])

    return sc_loss


_sc_loss = _make_sc_call()


def kernel(pred, target, bins, margins):
    pred_flat = pred.reshape(-1)
    target_flat = target.reshape(-1)
    partials = _sc_loss(pred_flat, target_flat, bins, margins)
    return jnp.sum(partials) / _N

# --- scband reference (transcript-rebuilt; emitter-appended) ---
"""Pipeline reference for scband-ldamreg-loss-30751965839587 (READ-ONLY COPY).

The authoritative reference and input builder live on the scoring server;
editing this copy changes nothing except your own understanding.
"""

import jax, jax.numpy as jnp
import numpy as np

LABELS = [0.0, 0.02, 0.05, 0.05, 0.08, 0.1, 0.1, 0.1, 0.12, 0.15, 0.15, 0.2, 0.2, 0.25, 0.3, 0.3, 0.35, 0.4, 0.45, 0.5, 0.55, 0.6, 0.7, 0.8, 0.9, 1.0]
N_BINS = 10
MAX_MARGIN = 1.0
N = 1048576


def _make_bins_margins():
    labels = np.asarray(LABELS, dtype=np.float64)
    bins = np.linspace(labels.min(), labels.max(), N_BINS + 1)
    bin_counts = np.histogram(labels, bins=bins)[0]
    margins = MAX_MARGIN * bin_counts / bin_counts.sum()
    return jnp.asarray(bins, dtype=jnp.float32), jnp.asarray(margins, dtype=jnp.float32)


def setup_inputs(seed: int = 0) -> dict:
    key = jax.random.key(seed)
    k1, k2 = jax.random.split(key)
    pred = jax.random.normal(k1, (N, 1), dtype=jnp.float32)
    target = jax.random.uniform(k2, (N, 1), dtype=jnp.float32)
    bins, margins = _make_bins_margins()
    return {"pred": pred, "target": target, "bins": bins, "margins": margins}


def reference(pred, target, bins, margins):
    # np.digitize(x, bins) == searchsorted(bins, x, side='right') for right=False default
    t_flat = target.reshape(-1)
    bin_indices = jnp.searchsorted(bins, t_flat, side='right') - 1
    bin_indices = jnp.clip(bin_indices, 0, margins.shape[0] - 1)
    m = jnp.take(margins, bin_indices, axis=0).reshape(-1, 1)
    adjusted_target = target + m * jnp.sign(pred - target)
    loss = jnp.mean((pred - adjusted_target) ** 2)
    return loss

if __name__ == "__main__":
    import jax
    _d = setup_inputs()
    print(jax.jit(kernel)(*tuple(_d.values())))

</pallas_src>

<mosaic_0001>
#map = affine_map<(d0, d1) -> (0)>
#map1 = affine_map<(d0, d1) -> (0, 0)>
module attributes {stable_mosaic.version = 14 : i64} {
  func.func @sc_loss(%arg0: i32, %arg1: i32, %arg2: memref<1048576xf32, #tpu.memory_space<hbm>>, %arg3: memref<1048576xf32, #tpu.memory_space<hbm>>, %arg4: memref<11xf32, #tpu.memory_space<hbm>>, %arg5: memref<10xf32, #tpu.memory_space<hbm>>, %arg6: memref<32x16xf32, #tpu.memory_space<hbm>>, %arg7: memref<2x8192xf32, #tpu.memory_space<vmem>>, %arg8: memref<2x8192xf32, #tpu.memory_space<vmem>>, %arg9: memref<16xf32, #tpu.memory_space<vmem>>, %arg10: memref<16xf32, #tpu.memory_space<vmem>>, %arg11: memref<16xf32, #tpu.memory_space<vmem>>, %arg12: memref<!tpu.dma_semaphore, #tpu.memory_space<semaphore_mem>>, %arg13: memref<!tpu.dma_semaphore, #tpu.memory_space<semaphore_mem>>, %arg14: memref<!tpu.dma_semaphore, #tpu.memory_space<semaphore_mem>>, %arg15: memref<!tpu.dma_semaphore, #tpu.memory_space<semaphore_mem>>) attributes {dimension_semantics = [#tpu.dimension_semantics<core_parallel>, #tpu.dimension_semantics<subcore_parallel>], iteration_bounds = array<i64: 2, 16>, scalar_prefetch = 0 : i64, scratch_operands = 9 : i64, tpu.core_type = #tpu.core_type<sc_vector_subcore>, window_params = [{transform_indices = #map}, {transform_indices = #map}, {transform_indices = #map}, {transform_indices = #map}, {transform_indices = #map1}]} {
    %mul3A = arith.constant 2 : i32
    %mul3A_0 = arith.muli %arg1, %mul3A : i32
    %add3A = arith.addi %mul3A_0, %arg0 : i32
    %mul3A_1 = arith.constant 32768 : i32
    %mul3A_2 = arith.muli %add3A, %mul3A_1 : i32
    %add3A_3 = arith.constant 0 : i32
    %add3A_4 = arith.addi %mul3A_2, %add3A_3 : i32
    %dma_start3A = arith.constant 0 : i32
    %dma_start3A_5 = arith.constant 0 : i32
    %dma_start3A_6 = tpu.memref_slice %arg7[%dma_start3A, %dma_start3A_5] : memref<2x8192xf32, #tpu.memory_space<vmem>> -> memref<1x8192xf32, #tpu.memory_space<vmem>>
    %dma_start3A_7 = tpu.memref_squeeze %dma_start3A_6 : memref<1x8192xf32, #tpu.memory_space<vmem>> -> memref<8192xf32, #tpu.memory_space<vmem>>
    %dma_start3A_8 = tpu.memref_slice %arg2[%add3A_4] : memref<1048576xf32, #tpu.memory_space<hbm>> -> memref<8192xf32, #tpu.memory_space<hbm>>
    %dma_start3A_9 = arith.constant 0 : i32
    %dma_start3A_10 = tpu.memref_slice %arg7[%dma_start3A, %dma_start3A_9] : memref<2x8192xf32, #tpu.memory_space<vmem>> -> memref<1x8192xf32, #tpu.memory_space<vmem>>
    %dma_start3A_11 = tpu.memref_squeeze %dma_start3A_10 : memref<1x8192xf32, #tpu.memory_space<vmem>> -> memref<8192xf32, #tpu.memory_space<vmem>>
    %dma_start3A_12 = tpu.memref_slice %arg2[%add3A_4] : memref<1048576xf32, #tpu.memory_space<hbm>> -> memref<8192xf32, #tpu.memory_space<hbm>>
    tpu.enqueue_dma source(%dma_start3A_12 : memref<8192xf32, #tpu.memory_space<hbm>>) target(%dma_start3A_11 : memref<8192xf32, #tpu.memory_space<vmem>>) target_semaphore(%arg12 : memref<!tpu.dma_semaphore, #tpu.memory_space<semaphore_mem>>)
    %add3A_13 = arith.constant 0 : i32
    %add3A_14 = arith.addi %mul3A_2, %add3A_13 : i32
    %dma_start3A_15 = arith.constant 0 : i32
    %dma_start3A_16 = arith.constant 0 : i32
    %dma_start3A_17 = tpu.memref_slice %arg8[%dma_start3A_15, %dma_start3A_16] : memref<2x8192xf32, #tpu.memory_space<vmem>> -> memref<1x8192xf32, #tpu.memory_space<vmem>>
    %dma_start3A_18 = tpu.memref_squeeze %dma_start3A_17 : memref<1x8192xf32, #tpu.memory_space<vmem>> -> memref<8192xf32, #tpu.memory_space<vmem>>
    %dma_start3A_19 = tpu.memref_slice %arg3[%add3A_14] : memref<1048576xf32, #tpu.memory_space<hbm>> -> memref<8192xf32, #tpu.memory_space<hbm>>
    %dma_start3A_20 = arith.constant 0 : i32
    %dma_start3A_21 = tpu.memref_slice %arg8[%dma_start3A_15, %dma_start3A_20] : memref<2x8192xf32, #tpu.memory_space<vmem>> -> memref<1x8192xf32, #tpu.memory_space<vmem>>
    %dma_start3A_22 = tpu.memref_squeeze %dma_start3A_21 : memref<1x8192xf32, #tpu.memory_space<vmem>> -> memref<8192xf32, #tpu.memory_space<vmem>>
    %dma_start3A_23 = tpu.memref_slice %arg3[%add3A_14] : memref<1048576xf32, #tpu.memory_space<hbm>> -> memref<8192xf32, #tpu.memory_space<hbm>>
    tpu.enqueue_dma source(%dma_start3A_23 : memref<8192xf32, #tpu.memory_space<hbm>>) target(%dma_start3A_22 : memref<8192xf32, #tpu.memory_space<vmem>>) target_semaphore(%arg14 : memref<!tpu.dma_semaphore, #tpu.memory_space<semaphore_mem>>)
    "tpu.region"() ({
      %run_scoped3A = tpu.sem_alloc : memref<!tpu.dma_semaphore, #tpu.memory_space<semaphore_mem>>
      %dma_start3A_198 = arith.constant 0 : i32
      %dma_start3A_199 = tpu.memref_slice %arg9[%dma_start3A_198] : memref<16xf32, #tpu.memory_space<vmem>> -> memref<11xf32, #tpu.memory_space<vmem>>
      %dma_start3A_200 = arith.constant 0 : i32
      %dma_start3A_201 = tpu.memref_slice %arg9[%dma_start3A_200] : memref<16xf32, #tpu.memory_space<vmem>> -> memref<11xf32, #tpu.memory_space<vmem>>
      tpu.enqueue_dma source(%arg4 : memref<11xf32, #tpu.memory_space<hbm>>) target(%dma_start3A_201 : memref<11xf32, #tpu.memory_space<vmem>>) target_semaphore(%run_scoped3A : memref<!tpu.dma_semaphore, #tpu.memory_space<semaphore_mem>>)
      %dma_wait3A_202 = arith.constant 0 : i32
      %dma_wait3A_203 = tpu.memref_slice %arg9[%dma_wait3A_202] : memref<16xf32, #tpu.memory_space<vmem>> -> memref<11xf32, #tpu.memory_space<vmem>>
      %dma_wait3A_204 = arith.constant 0 : i32
      %dma_wait3A_205 = tpu.memref_slice %arg9[%dma_wait3A_204] : memref<16xf32, #tpu.memory_space<vmem>> -> memref<11xf32, #tpu.memory_space<vmem>>
      tpu.wait_dma2 semaphore(%run_scoped3A : memref<!tpu.dma_semaphore, #tpu.memory_space<semaphore_mem>>) src(%arg4 : memref<11xf32, #tpu.memory_space<hbm>>) dst(%dma_wait3A_205 : memref<11xf32, #tpu.memory_space<vmem>>)
      tpu.yield
    }) : () -> ()
    "tpu.region"() ({
      %run_scoped3A = tpu.sem_alloc : memref<!tpu.dma_semaphore, #tpu.memory_space<semaphore_mem>>
      %dma_start3A_198 = arith.constant 0 : i32
      %dma_start3A_199 = tpu.memref_slice %arg10[%dma_start3A_198] : memref<16xf32, #tpu.memory_space<vmem>> -> memref<10xf32, #tpu.memory_space<vmem>>
      %dma_start3A_200 = arith.constant 0 : i32
      %dma_start3A_201 = tpu.memref_slice %arg10[%dma_start3A_200] : memref<16xf32, #tpu.memory_space<vmem>> -> memref<10xf32, #tpu.memory_space<vmem>>
      tpu.enqueue_dma source(%arg5 : memref<10xf32, #tpu.memory_space<hbm>>) target(%dma_start3A_201 : memref<10xf32, #tpu.memory_space<vmem>>) target_semaphore(%run_scoped3A : memref<!tpu.dma_semaphore, #tpu.memory_space<semaphore_mem>>)
      %dma_wait3A_202 = arith.constant 0 : i32
      %dma_wait3A_203 = tpu.memref_slice %arg10[%dma_wait3A_202] : memref<16xf32, #tpu.memory_space<vmem>> -> memref<10xf32, #tpu.memory_space<vmem>>
      %dma_wait3A_204 = arith.constant 0 : i32
      %dma_wait3A_205 = tpu.memref_slice %arg10[%dma_wait3A_204] : memref<16xf32, #tpu.memory_space<vmem>> -> memref<10xf32, #tpu.memory_space<vmem>>
      tpu.wait_dma2 semaphore(%run_scoped3A : memref<!tpu.dma_semaphore, #tpu.memory_space<semaphore_mem>>) src(%arg5 : memref<10xf32, #tpu.memory_space<hbm>>) dst(%dma_wait3A_205 : memref<10xf32, #tpu.memory_space<vmem>>)
      tpu.yield
    }) : () -> ()
    %get3A = arith.constant 0 : index
    %get3A_24 = tpu.vector_load %arg9[%get3A] {strides = array<i32>} : memref<16xf32, #tpu.memory_space<vmem>>, vector<16xf32>,
    %slice3A = vector.extract_strided_slice %get3A_24 {offsets = [0], sizes = [1], strides = [1]} : vector<16xf32> to vector<1xf32>
    %squeeze3A = vector.extract %slice3A[0] : f32 from vector<1xf32>
    %broadcast_in_dim3A = vector.broadcast %squeeze3A : f32 to vector<16xf32>
    %slice3A_25 = vector.extract_strided_slice %get3A_24 {offsets = [10], sizes = [1], strides = [1]} : vector<16xf32> to vector<1xf32>
    %squeeze3A_26 = vector.extract %slice3A_25[0] : f32 from vector<1xf32>
    %broadcast_in_dim3A_27 = vector.broadcast %squeeze3A_26 : f32 to vector<16xf32>
    %sub3A = arith.subf %broadcast_in_dim3A_27, %broadcast_in_dim3A : vector<16xf32>
    %broadcast_in_dim3A_28 = arith.constant 1.000000e+01 : f32
    %broadcast_in_dim3A_29 = vector.broadcast %broadcast_in_dim3A_28 : f32 to vector<16xf32>
    %div3A = arith.divf %broadcast_in_dim3A_29, %sub3A : vector<16xf32>
    %broadcast_in_dim3A_30 = arith.constant 0.000000e+00 : f32
    %broadcast_in_dim3A_31 = vector.broadcast %broadcast_in_dim3A_30 : f32 to vector<16xf32>
    %broadcast_in_dim3A_32 = arith.constant 9.000000e+00 : f32
    %broadcast_in_dim3A_33 = vector.broadcast %broadcast_in_dim3A_32 : f32 to vector<16xf32>
    %add3A_34 = arith.constant 8192 : i32
    %add3A_35 = arith.addi %mul3A_2, %add3A_34 : i32
    %dma_start3A_36 = arith.constant 1 : i32
    %dma_start3A_37 = arith.constant 0 : i32
    %dma_start3A_38 = tpu.memref_slice %arg7[%dma_start3A_36, %dma_start3A_37] : memref<2x8192xf32, #tpu.memory_space<vmem>> -> memref<1x8192xf32, #tpu.memory_space<vmem>>
    %dma_start3A_39 = tpu.memref_squeeze %dma_start3A_38 : memref<1x8192xf32, #tpu.memory_space<vmem>> -> memref<8192xf32, #tpu.memory_space<vmem>>
    %dma_start3A_40 = tpu.memref_slice %arg2[%add3A_35] : memref<1048576xf32, #tpu.memory_space<hbm>> -> memref<8192xf32, #tpu.memory_space<hbm>>
    %dma_start3A_41 = arith.constant 0 : i32
    %dma_start3A_42 = tpu.memref_slice %arg7[%dma_start3A_36, %dma_start3A_41] : memref<2x8192xf32, #tpu.memory_space<vmem>> -> memref<1x8192xf32, #tpu.memory_space<vmem>>
    %dma_start3A_43 = tpu.memref_squeeze %dma_start3A_42 : memref<1x8192xf32, #tpu.memory_space<vmem>> -> memref<8192xf32, #tpu.memory_space<vmem>>
    %dma_start3A_44 = tpu.memref_slice %arg2[%add3A_35] : memref<1048576xf32, #tpu.memory_space<hbm>> -> memref<8192xf32, #tpu.memory_space<hbm>>
    tpu.enqueue_dma source(%dma_start3A_44 : memref<8192xf32, #tpu.memory_space<hbm>>) target(%dma_start3A_43 : memref<8192xf32, #tpu.memory_space<vmem>>) target_semaphore(%arg13 : memref<!tpu.dma_semaphore, #tpu.memory_space<semaphore_mem>>)
    %add3A_45 = arith.constant 8192 : i32
    %add3A_46 = arith.addi %mul3A_2, %add3A_45 : i32
    %dma_start3A_47 = arith.constant 1 : i32
    %dma_start3A_48 = arith.constant 0 : i32
    %dma_start3A_49 = tpu.memref_slice %arg8[%dma_start3A_47, %dma_start3A_48] : memref<2x8192xf32, #tpu.memory_space<vmem>> -> memref<1x8192xf32, #tpu.memory_space<vmem>>
    %dma_start3A_50 = tpu.memref_squeeze %dma_start3A_49 : memref<1x8192xf32, #tpu.memory_space<vmem>> -> memref<8192xf32, #tpu.memory_space<vmem>>
    %dma_start3A_51 = tpu.memref_slice %arg3[%add3A_46] : memref<1048576xf32, #tpu.memory_space<hbm>> -> memref<8192xf32, #tpu.memory_space<hbm>>
    %dma_start3A_52 = arith.constant 0 : i32
    %dma_start3A_53 = tpu.memref_slice %arg8[%dma_start3A_47, %dma_start3A_52] : memref<2x8192xf32, #tpu.memory_space<vmem>> -> memref<1x8192xf32, #tpu.memory_space<vmem>>
    %dma_start3A_54 = tpu.memref_squeeze %dma_start3A_53 : memref<1x8192xf32, #tpu.memory_space<vmem>> -> memref<8192xf32, #tpu.memory_space<vmem>>
    %dma_start3A_55 = tpu.memref_slice %arg3[%add3A_46] : memref<1048576xf32, #tpu.memory_space<hbm>> -> memref<8192xf32, #tpu.memory_space<hbm>>
    tpu.enqueue_dma source(%dma_start3A_55 : memref<8192xf32, #tpu.memory_space<hbm>>) target(%dma_start3A_54 : memref<8192xf32, #tpu.memory_space<vmem>>) target_semaphore(%arg15 : memref<!tpu.dma_semaphore, #tpu.memory_space<semaphore_mem>>)
    %dma_wait3A = arith.constant 0 : i32
    %dma_wait3A_56 = arith.constant 0 : i32
    %dma_wait3A_57 = tpu.memref_slice %arg8[%dma_wait3A, %dma_wait3A_56] : memref<2x8192xf32, #tpu.memory_space<vmem>> -> memref<1x8192xf32, #tpu.memory_space<vmem>>
    %dma_wait3A_58 = tpu.memref_squeeze %dma_wait3A_57 : memref<1x8192xf32, #tpu.memory_space<vmem>> -> memref<8192xf32, #tpu.memory_space<vmem>>
    %dma_wait3A_59 = tpu.memref_slice %arg3[%add3A_14] : memref<1048576xf32, #tpu.memory_space<hbm>> -> memref<8192xf32, #tpu.memory_space<hbm>>
    %dma_wait3A_60 = arith.constant 0 : i32
    %dma_wait3A_61 = tpu.memref_slice %arg8[%dma_wait3A, %dma_wait3A_60] : memref<2x8192xf32, #tpu.memory_space<vmem>> -> memref<1x8192xf32, #tpu.memory_space<vmem>>
    %dma_wait3A_62 = tpu.memref_squeeze %dma_wait3A_61 : memref<1x8192xf32, #tpu.memory_space<vmem>> -> memref<8192xf32, #tpu.memory_space<vmem>>
    %dma_wait3A_63 = tpu.memref_slice %arg3[%add3A_14] : memref<1048576xf32, #tpu.memory_space<hbm>> -> memref<8192xf32, #tpu.memory_space<hbm>>
    tpu.wait_dma2 semaphore(%arg14 : memref<!tpu.dma_semaphore, #tpu.memory_space<semaphore_mem>>) src(%dma_wait3A_63 : memref<8192xf32, #tpu.memory_space<hbm>>) dst(%dma_wait3A_62 : memref<8192xf32, #tpu.memory_space<vmem>>)
    %dma_wait3A_64 = arith.constant 0 : i32
    %dma_wait3A_65 = arith.constant 0 : i32
    %dma_wait3A_66 = tpu.memref_slice %arg7[%dma_wait3A_64, %dma_wait3A_65] : memref<2x8192xf32, #tpu.memory_space<vmem>> -> memref<1x8192xf32, #tpu.memory_space<vmem>>
    %dma_wait3A_67 = tpu.memref_squeeze %dma_wait3A_66 : memref<1x8192xf32, #tpu.memory_space<vmem>> -> memref<8192xf32, #tpu.memory_space<vmem>>
    %dma_wait3A_68 = tpu.memref_slice %arg2[%add3A_4] : memref<1048576xf32, #tpu.memory_space<hbm>> -> memref<8192xf32, #tpu.memory_space<hbm>>
    %dma_wait3A_69 = arith.constant 0 : i32
    %dma_wait3A_70 = tpu.memref_slice %arg7[%dma_wait3A_64, %dma_wait3A_69] : memref<2x8192xf32, #tpu.memory_space<vmem>> -> memref<1x8192xf32, #tpu.memory_space<vmem>>
    %dma_wait3A_71 = tpu.memref_squeeze %dma_wait3A_70 : memref<1x8192xf32, #tpu.memory_space<vmem>> -> memref<8192xf32, #tpu.memory_space<vmem>>
    %dma_wait3A_72 = tpu.memref_slice %arg2[%add3A_4] : memref<1048576xf32, #tpu.memory_space<hbm>> -> memref<8192xf32, #tpu.memory_space<hbm>>
    tpu.wait_dma2 semaphore(%arg12 : memref<!tpu.dma_semaphore, #tpu.memory_space<semaphore_mem>>) src(%dma_wait3A_72 : memref<8192xf32, #tpu.memory_space<hbm>>) dst(%dma_wait3A_71 : memref<8192xf32, #tpu.memory_space<vmem>>)
    %scan3A = arith.constant 0 : i32
    %scan3A_73 = arith.constant 128 : i32
    %scan3A_74 = arith.addi %scan3A, %scan3A_73 : i32
    %scan3A_75 = arith.constant 1 : i32
    %scan3A_76:4 = scf.for %scan3A_198 = %scan3A to %scan3A_74 step %scan3A_75 iter_args(%scan3A_199 = %broadcast_in_dim3A_31, %scan3A_200 = %broadcast_in_dim3A_31, %scan3A_201 = %broadcast_in_dim3A_31, %scan3A_202 = %broadcast_in_dim3A_31) -> (vector<16xf32>, vector<16xf32>, vector<16xf32>, vector<16xf32>)  : i32 {
      %mul3A_203 = arith.constant 4 : i32
      %mul3A_204 = arith.muli %scan3A_198, %mul3A_203 : i32
      %add3A_205 = arith.constant 0 : i32
      %add3A_206 = arith.addi %mul3A_204, %add3A_205 : i32
      %mul3A_207 = arith.constant 16 : i32
      %mul3A_208 = arith.muli %add3A_206, %mul3A_207 : i32
      %get3A_209 = arith.constant 0 : i32
      %get3A_210 = arith.index_cast %get3A_209 : i32 to index
      %get3A_211 = arith.index_cast %mul3A_208 : i32 to index
      %get3A_212 = tpu.vector_load %arg7[%get3A_210, %get3A_211] {strides = array<i32>} : memref<2x8192xf32, #tpu.memory_space<vmem>>, vector<16xf32>,
      %get3A_213 = arith.constant 0 : i32
      %get3A_214 = arith.index_cast %get3A_213 : i32 to index
      %get3A_215 = arith.index_cast %mul3A_208 : i32 to index
      %get3A_216 = tpu.vector_load %arg8[%get3A_214, %get3A_215] {strides = array<i32>} : memref<2x8192xf32, #tpu.memory_space<vmem>>, vector<16xf32>,
      %sub3A_217 = arith.subf %get3A_216, %broadcast_in_dim3A : vector<16xf32>
      %mul3A_218 = arith.mulf %sub3A_217, %div3A : vector<16xf32>
      %max3A = arith.maximumf %mul3A_218, %broadcast_in_dim3A_31 : vector<16xf32>
      %min3A = arith.minimumf %max3A, %broadcast_in_dim3A_33 : vector<16xf32>
      %convert_element_type3A = arith.fptosi %min3A : vector<16xf32> to vector<16xi32>
      %gather3A = tpu.vector_load_idx %arg10[%convert_element_type3A] : memref<16xf32, #tpu.memory_space<vmem>>[vector<16xi32>], vector<16xf32>,
      %sub3A_219 = arith.subf %get3A_212, %get3A_216 : vector<16xf32>
      %abs3A = math.absf %sub3A_219 : vector<16xf32>
      %sub3A_220 = arith.subf %abs3A, %gather3A : vector<16xf32>
      %eq3A = arith.cmpf oeq, %sub3A_219, %broadcast_in_dim3A_31 : vector<16xf32>
      %mul3A_221 = arith.mulf %sub3A_220, %sub3A_220 : vector<16xf32>
      %select_n3A = arith.select %eq3A, %broadcast_in_dim3A_31, %mul3A_221 : vector<16xi1>, vector<16xf32>
      %add3A_222 = arith.addf %scan3A_199, %select_n3A : vector<16xf32>
      %mul3A_223 = arith.constant 4 : i32
      %mul3A_224 = arith.muli %scan3A_198, %mul3A_223 : i32
      %add3A_225 = arith.constant 1 : i32
      %add3A_226 = arith.addi %mul3A_224, %add3A_225 : i32
      %mul3A_227 = arith.constant 16 : i32
      %mul3A_228 = arith.muli %add3A_226, %mul3A_227 : i32
      %get3A_229 = arith.constant 0 : i32
      %get3A_230 = arith.index_cast %get3A_229 : i32 to index
      %get3A_231 = arith.index_cast %mul3A_228 : i32 to index
      %get3A_232 = tpu.vector_load %arg7[%get3A_230, %get3A_231] {strides = array<i32>} : memref<2x8192xf32, #tpu.memory_space<vmem>>, vector<16xf32>,
      %get3A_233 = arith.constant 0 : i32
      %get3A_234 = arith.index_cast %get3A_233 : i32 to index
      %get3A_235 = arith.index_cast %mul3A_228 : i32 to index
      %get3A_236 = tpu.vector_load %arg8[%get3A_234, %get3A_235] {strides = array<i32>} : memref<2x8192xf32, #tpu.memory_space<vmem>>, vector<16xf32>,
      %sub3A_237 = arith.subf %get3A_236, %broadcast_in_dim3A : vector<16xf32>
      %mul3A_238 = arith.mulf %sub3A_237, %div3A : vector<16xf32>
      %max3A_239 = arith.maximumf %mul3A_238, %broadcast_in_dim3A_31 : vector<16xf32>
      %min3A_240 = arith.minimumf %max3A_239, %broadcast_in_dim3A_33 : vector<16xf32>
      %convert_element_type3A_241 = arith.fptosi %min3A_240 : vector<16xf32> to vector<16xi32>
      %gather3A_242 = tpu.vector_load_idx %arg10[%convert_element_type3A_241] : memref<16xf32, #tpu.memory_space<vmem>>[vector<16xi32>], vector<16xf32>,
      %sub3A_243 = arith.subf %get3A_232, %get3A_236 : vector<16xf32>
      %abs3A_244 = math.absf %sub3A_243 : vector<16xf32>
      %sub3A_245 = arith.subf %abs3A_244, %gather3A_242 : vector<16xf32>
      %eq3A_246 = arith.cmpf oeq, %sub3A_243, %broadcast_in_dim3A_31 : vector<16xf32>
      %mul3A_247 = arith.mulf %sub3A_245, %sub3A_245 : vector<16xf32>
      %select_n3A_248 = arith.select %eq3A_246, %broadcast_in_dim3A_31, %mul3A_247 : vector<16xi1>, vector<16xf32>
      %add3A_249 = arith.addf %scan3A_200, %select_n3A_248 : vector<16xf32>
      %mul3A_250 = arith.constant 4 : i32
      %mul3A_251 = arith.muli %scan3A_198, %mul3A_250 : i32
      %add3A_252 = arith.constant 2 : i32
      %add3A_253 = arith.addi %mul3A_251, %add3A_252 : i32
      %mul3A_254 = arith.constant 16 : i32
      %mul3A_255 = arith.muli %add3A_253, %mul3A_254 : i32
      %get3A_256 = arith.constant 0 : i32
      %get3A_257 = arith.index_cast %get3A_256 : i32 to index
      %get3A_258 = arith.index_cast %mul3A_255 : i32 to index
      %get3A_259 = tpu.vector_load %arg7[%get3A_257, %get3A_258] {strides = array<i32>} : memref<2x8192xf32, #tpu.memory_space<vmem>>, vector<16xf32>,
      %get3A_260 = arith.constant 0 : i32
      %get3A_261 = arith.index_cast %get3A_260 : i32 to index
      %get3A_262 = arith.index_cast %mul3A_255 : i32 to index
      %get3A_263 = tpu.vector_load %arg8[%get3A_261, %get3A_262] {strides = array<i32>} : memref<2x8192xf32, #tpu.memory_space<vmem>>, vector<16xf32>,
      %sub3A_264 = arith.subf %get3A_263, %broadcast_in_dim3A : vector<16xf32>
      %mul3A_265 = arith.mulf %sub3A_264, %div3A : vector<16xf32>
      %max3A_266 = arith.maximumf %mul3A_265, %broadcast_in_dim3A_31 : vector<16xf32>
      %min3A_267 = arith.minimumf %max3A_266, %broadcast_in_dim3A_33 : vector<16xf32>
      %convert_element_type3A_268 = arith.fptosi %min3A_267 : vector<16xf32> to vector<16xi32>
      %gather3A_269 = tpu.vector_load_idx %arg10[%convert_element_type3A_268] : memref<16xf32, #tpu.memory_space<vmem>>[vector<16xi32>], vector<16xf32>,
      %sub3A_270 = arith.subf %get3A_259, %get3A_263 : vector<16xf32>
      %abs3A_271 = math.absf %sub3A_270 : vector<16xf32>
      %sub3A_272 = arith.subf %abs3A_271, %gather3A_269 : vector<16xf32>
      %eq3A_273 = arith.cmpf oeq, %sub3A_270, %broadcast_in_dim3A_31 : vector<16xf32>
      %mul3A_274 = arith.mulf %sub3A_272, %sub3A_272 : vector<16xf32>
      %select_n3A_275 = arith.select %eq3A_273, %broadcast_in_dim3A_31, %mul3A_274 : vector<16xi1>, vector<16xf32>
      %add3A_276 = arith.addf %scan3A_201, %select_n3A_275 : vector<16xf32>
      %mul3A_277 = arith.constant 4 : i32
      %mul3A_278 = arith.muli %scan3A_198, %mul3A_277 : i32
      %add3A_279 = arith.constant 3 : i32
      %add3A_280 = arith.addi %mul3A_278, %add3A_279 : i32
      %mul3A_281 = arith.constant 16 : i32
      %mul3A_282 = arith.muli %add3A_280, %mul3A_281 : i32
      %get3A_283 = arith.constant 0 : i32
      %get3A_284 = arith.index_cast %get3A_283 : i32 to index
      %get3A_285 = arith.index_cast %mul3A_282 : i32 to index
      %get3A_286 = tpu.vector_load %arg7[%get3A_284, %get3A_285] {strides = array<i32>} : memref<2x8192xf32, #tpu.memory_space<vmem>>, vector<16xf32>,
      %get3A_287 = arith.constant 0 : i32
      %get3A_288 = arith.index_cast %get3A_287 : i32 to index
      %get3A_289 = arith.index_cast %mul3A_282 : i32 to index
      %get3A_290 = tpu.vector_load %arg8[%get3A_288, %get3A_289] {strides = array<i32>} : memref<2x8192xf32, #tpu.memory_space<vmem>>, vector<16xf32>,
      %sub3A_291 = arith.subf %get3A_290, %broadcast_in_dim3A : vector<16xf32>
      %mul3A_292 = arith.mulf %sub3A_291, %div3A : vector<16xf32>
      %max3A_293 = arith.maximumf %mul3A_292, %broadcast_in_dim3A_31 : vector<16xf32>
      %min3A_294 = arith.minimumf %max3A_293, %broadcast_in_dim3A_33 : vector<16xf32>
      %convert_element_type3A_295 = arith.fptosi %min3A_294 : vector<16xf32> to vector<16xi32>
      %gather3A_296 = tpu.vector_load_idx %arg10[%convert_element_type3A_295] : memref<16xf32, #tpu.memory_space<vmem>>[vector<16xi32>], vector<16xf32>,
      %sub3A_297 = arith.subf %get3A_286, %get3A_290 : vector<16xf32>
      %abs3A_298 = math.absf %sub3A_297 : vector<16xf32>
      %sub3A_299 = arith.subf %abs3A_298, %gather3A_296 : vector<16xf32>
      %eq3A_300 = arith.cmpf oeq, %sub3A_297, %broadcast_in_dim3A_31 : vector<16xf32>
      %mul3A_301 = arith.mulf %sub3A_299, %sub3A_299 : vector<16xf32>
      %select_n3A_302 = arith.select %eq3A_300, %broadcast_in_dim3A_31, %mul3A_301 : vector<16xi1>, vector<16xf32>
      %add3A_303 = arith.addf %scan3A_202, %select_n3A_302 : vector<16xf32>
      scf.yield %add3A_222, %add3A_249, %add3A_276, %add3A_303 : vector<16xf32>, vector<16xf32>, vector<16xf32>, vector<16xf32>
    }
    %scan3A_77 = arith.constant 128 : i32
    %add3A_78 = arith.constant 16384 : i32
    %add3A_79 = arith.addi %mul3A_2, %add3A_78 : i32
    %dma_start3A_80 = arith.constant 0 : i32
    %dma_start3A_81 = arith.constant 0 : i32
    %dma_start3A_82 = tpu.memref_slice %arg7[%dma_start3A_80, %dma_start3A_81] : memref<2x8192xf32, #tpu.memory_space<vmem>> -> memref<1x8192xf32, #tpu.memory_space<vmem>>
    %dma_start3A_83 = tpu.memref_squeeze %dma_start3A_82 : memref<1x8192xf32, #tpu.memory_space<vmem>> -> memref<8192xf32, #tpu.memory_space<vmem>>
    %dma_start3A_84 = tpu.memref_slice %arg2[%add3A_79] : memref<1048576xf32, #tpu.memory_space<hbm>> -> memref<8192xf32, #tpu.memory_space<hbm>>
    %dma_start3A_85 = arith.constant 0 : i32
    %dma_start3A_86 = tpu.memref_slice %arg7[%dma_start3A_80, %dma_start3A_85] : memref<2x8192xf32, #tpu.memory_space<vmem>> -> memref<1x8192xf32, #tpu.memory_space<vmem>>
    %dma_start3A_87 = tpu.memref_squeeze %dma_start3A_86 : memref<1x8192xf32, #tpu.memory_space<vmem>> -> memref<8192xf32, #tpu.memory_space<vmem>>
    %dma_start3A_88 = tpu.memref_slice %arg2[%add3A_79] : memref<1048576xf32, #tpu.memory_space<hbm>> -> memref<8192xf32, #tpu.memory_space<hbm>>
    tpu.enqueue_dma source(%dma_start3A_88 : memref<8192xf32, #tpu.memory_space<hbm>>) target(%dma_start3A_87 : memref<8192xf32, #tpu.memory_space<vmem>>) target_semaphore(%arg12 : memref<!tpu.dma_semaphore, #tpu.memory_space<semaphore_mem>>)
    %add3A_89 = arith.constant 16384 : i32
    %add3A_90 = arith.addi %mul3A_2, %add3A_89 : i32
    %dma_start3A_91 = arith.constant 0 : i32
    %dma_start3A_92 = arith.constant 0 : i32
    %dma_start3A_93 = tpu.memref_slice %arg8[%dma_start3A_91, %dma_start3A_92] : memref<2x8192xf32, #tpu.memory_space<vmem>> -> memref<1x8192xf32, #tpu.memory_space<vmem>>
    %dma_start3A_94 = tpu.memref_squeeze %dma_start3A_93 : memref<1x8192xf32, #tpu.memory_space<vmem>> -> memref<8192xf32, #tpu.memory_space<vmem>>
    %dma_start3A_95 = tpu.memref_slice %arg3[%add3A_90] : memref<1048576xf32, #tpu.memory_space<hbm>> -> memref<8192xf32, #tpu.memory_space<hbm>>
    %dma_start3A_96 = arith.constant 0 : i32
    %dma_start3A_97 = tpu.memref_slice %arg8[%dma_start3A_91, %dma_start3A_96] : memref<2x8192xf32, #tpu.memory_space<vmem>> -> memref<1x8192xf32, #tpu.memory_space<vmem>>
    %dma_start3A_98 = tpu.memref_squeeze %dma_start3A_97 : memref<1x8192xf32, #tpu.memory_space<vmem>> -> memref<8192xf32, #tpu.memory_space<vmem>>
    %dma_start3A_99 = tpu.memref_slice %arg3[%add3A_90] : memref<1048576xf32, #tpu.memory_space<hbm>> -> memref<8192xf32, #tpu.memory_space<hbm>>
    tpu.enqueue_dma source(%dma_start3A_99 : memref<8192xf32, #tpu.memory_space<hbm>>) target(%dma_start3A_98 : memref<8192xf32, #tpu.memory_space<vmem>>) target_semaphore(%arg14 : memref<!tpu.dma_semaphore, #tpu.memory_space<semaphore_mem>>)
    %dma_wait3A_100 = arith.constant 1 : i32
    %dma_wait3A_101 = arith.constant 0 : i32
    %dma_wait3A_102 = tpu.memref_slice %arg8[%dma_wait3A_100, %dma_wait3A_101] : memref<2x8192xf32, #tpu.memory_space<vmem>> -> memref<1x8192xf32, #tpu.memory_space<vmem>>
    %dma_wait3A_103 = tpu.memref_squeeze %dma_wait3A_102 : memref<1x8192xf32, #tpu.memory_space<vmem>> -> memref<8192xf32, #tpu.memory_space<vmem>>
    %dma_wait3A_104 = tpu.memref_slice %arg3[%add3A_46] : memref<1048576xf32, #tpu.memory_space<hbm>> -> memref<8192xf32, #tpu.memory_space<hbm>>
    %dma_wait3A_105 = arith.constant 0 : i32
    %dma_wait3A_106 = tpu.memref_slice %arg8[%dma_wait3A_100, %dma_wait3A_105] : memref<2x8192xf32, #tpu.memory_space<vmem>> -> memref<1x8192xf32, #tpu.memory_space<vmem>>
    %dma_wait3A_107 = tpu.memref_squeeze %dma_wait3A_106 : memref<1x8192xf32, #tpu.memory_space<vmem>> -> memref<8192xf32, #tpu.memory_space<vmem>>
    %dma_wait3A_108 = tpu.memref_slice %arg3[%add3A_46] : memref<1048576xf32, #tpu.memory_space<hbm>> -> memref<8192xf32, #tpu.memory_space<hbm>>
    tpu.wait_dma2 semaphore(%arg15 : memref<!tpu.dma_semaphore, #tpu.memory_space<semaphore_mem>>) src(%dma_wait3A_108 : memref<8192xf32, #tpu.memory_space<hbm>>) dst(%dma_wait3A_107 : memref<8192xf32, #tpu.memory_space<vmem>>)
    %dma_wait3A_109 = arith.constant 1 : i32
    %dma_wait3A_110 = arith.constant 0 : i32
    %dma_wait3A_111 = tpu.memref_slice %arg7[%dma_wait3A_109, %dma_wait3A_110] : memref<2x8192xf32, #tpu.memory_space<vmem>> -> memref<1x8192xf32, #tpu.memory_space<vmem>>
    %dma_wait3A_112 = tpu.memref_squeeze %dma_wait3A_111 : memref<1x8192xf32, #tpu.memory_space<vmem>> -> memref<8192xf32, #tpu.memory_space<vmem>>
    %dma_wait3A_113 = tpu.memref_slice %arg2[%add3A_35] : memref<1048576xf32, #tpu.memory_space<hbm>> -> memref<8192xf32, #tpu.memory_space<hbm>>
    %dma_wait3A_114 = arith.constant 0 : i32
    %dma_wait3A_115 = tpu.memref_slice %arg7[%dma_wait3A_109, %dma_wait3A_114] : memref<2x8192xf32, #tpu.memory_space<vmem>> -> memref<1x8192xf32, #tpu.memory_space<vmem>>
    %dma_wait3A_116 = tpu.memref_squeeze %dma_wait3A_115 : memref<1x8192xf32, #tpu.memory_space<vmem>> -> memref<8192xf32, #tpu.memory_space<vmem>>
    %dma_wait3A_117 = tpu.memref_slice %arg2[%add3A_35] : memref<1048576xf32, #tpu.memory_space<hbm>> -> memref<8192xf32, #tpu.memory_space<hbm>>
    tpu.wait_dma2 semaphore(%arg13 : memref<!tpu.dma_semaphore, #tpu.memory_space<semaphore_mem>>) src(%dma_wait3A_117 : memref<8192xf32, #tpu.memory_space<hbm>>) dst(%dma_wait3A_116 : memref<8192xf32, #tpu.memory_space<vmem>>)
    %scan3A_118 = arith.constant 0 : i32
    %scan3A_119 = arith.constant 128 : i32
    %scan3A_120 = arith.addi %scan3A_118, %scan3A_119 : i32
    %scan3A_121 = arith.constant 1 : i32
    %scan3A_122:4 = scf.for %scan3A_198 = %scan3A_118 to %scan3A_120 step %scan3A_121 iter_args(%scan3A_199 = %scan3A_76#0, %scan3A_200 = %scan3A_76#1, %scan3A_201 = %scan3A_76#2, %scan3A_202 = %scan3A_76#3) -> (vector<16xf32>, vector<16xf32>, vector<16xf32>, vector<16xf32>)  : i32 {
      %mul3A_203 = arith.constant 4 : i32
      %mul3A_204 = arith.muli %scan3A_198, %mul3A_203 : i32
      %add3A_205 = arith.constant 0 : i32
      %add3A_206 = arith.addi %mul3A_204, %add3A_205 : i32
      %mul3A_207 = arith.constant 16 : i32
      %mul3A_208 = arith.muli %add3A_206, %mul3A_207 : i32
      %get3A_209 = arith.constant 1 : i32
      %get3A_210 = arith.index_cast %get3A_209 : i32 to index
      %get3A_211 = arith.index_cast %mul3A_208 : i32 to index
      %get3A_212 = tpu.vector_load %arg7[%get3A_210, %get3A_211] {strides = array<i32>} : memref<2x8192xf32, #tpu.memory_space<vmem>>, vector<16xf32>,
      %get3A_213 = arith.constant 1 : i32
      %get3A_214 = arith.index_cast %get3A_213 : i32 to index
      %get3A_215 = arith.index_cast %mul3A_208 : i32 to index
      %get3A_216 = tpu.vector_load %arg8[%get3A_214, %get3A_215] {strides = array<i32>} : memref<2x8192xf32, #tpu.memory_space<vmem>>, vector<16xf32>,
      %sub3A_217 = arith.subf %get3A_216, %broadcast_in_dim3A : vector<16xf32>
      %mul3A_218 = arith.mulf %sub3A_217, %div3A : vector<16xf32>
      %max3A = arith.maximumf %mul3A_218, %broadcast_in_dim3A_31 : vector<16xf32>
      %min3A = arith.minimumf %max3A, %broadcast_in_dim3A_33 : vector<16xf32>
      %convert_element_type3A = arith.fptosi %min3A : vector<16xf32> to vector<16xi32>
      %gather3A = tpu.vector_load_idx %arg10[%convert_element_type3A] : memref<16xf32, #tpu.memory_space<vmem>>[vector<16xi32>], vector<16xf32>,
      %sub3A_219 = arith.subf %get3A_212, %get3A_216 : vector<16xf32>
      %abs3A = math.absf %sub3A_219 : vector<16xf32>
      %sub3A_220 = arith.subf %abs3A, %gather3A : vector<16xf32>
      %eq3A = arith.cmpf oeq, %sub3A_219, %broadcast_in_dim3A_31 : vector<16xf32>
      %mul3A_221 = arith.mulf %sub3A_220, %sub3A_220 : vector<16xf32>
      %select_n3A = arith.select %eq3A, %broadcast_in_dim3A_31, %mul3A_221 : vector<16xi1>, vector<16xf32>
      %add3A_222 = arith.addf %scan3A_199, %select_n3A : vector<16xf32>
      %mul3A_223 = arith.constant 4 : i32
      %mul3A_224 = arith.muli %scan3A_198, %mul3A_223 : i32
      %add3A_225 = arith.constant 1 : i32
      %add3A_226 = arith.addi %mul3A_224, %add3A_225 : i32
      %mul3A_227 = arith.constant 16 : i32
      %mul3A_228 = arith.muli %add3A_226, %mul3A_227 : i32
      %get3A_229 = arith.constant 1 : i32
      %get3A_230 = arith.index_cast %get3A_229 : i32 to index
      %get3A_231 = arith.index_cast %mul3A_228 : i32 to index
      %get3A_232 = tpu.vector_load %arg7[%get3A_230, %get3A_231] {strides = array<i32>} : memref<2x8192xf32, #tpu.memory_space<vmem>>, vector<16xf32>,
      %get3A_233 = arith.constant 1 : i32
      %get3A_234 = arith.index_cast %get3A_233 : i32 to index
      %get3A_235 = arith.index_cast %mul3A_228 : i32 to index
      %get3A_236 = tpu.vector_load %arg8[%get3A_234, %get3A_235] {strides = array<i32>} : memref<2x8192xf32, #tpu.memory_space<vmem>>, vector<16xf32>,
      %sub3A_237 = arith.subf %get3A_236, %broadcast_in_dim3A : vector<16xf32>
      %mul3A_238 = arith.mulf %sub3A_237, %div3A : vector<16xf32>
      %max3A_239 = arith.maximumf %mul3A_238, %broadcast_in_dim3A_31 : vector<16xf32>
      %min3A_240 = arith.minimumf %max3A_239, %broadcast_in_dim3A_33 : vector<16xf32>
      %convert_element_type3A_241 = arith.fptosi %min3A_240 : vector<16xf32> to vector<16xi32>
      %gather3A_242 = tpu.vector_load_idx %arg10[%convert_element_type3A_241] : memref<16xf32, #tpu.memory_space<vmem>>[vector<16xi32>], vector<16xf32>,
      %sub3A_243 = arith.subf %get3A_232, %get3A_236 : vector<16xf32>
      %abs3A_244 = math.absf %sub3A_243 : vector<16xf32>
      %sub3A_245 = arith.subf %abs3A_244, %gather3A_242 : vector<16xf32>
      %eq3A_246 = arith.cmpf oeq, %sub3A_243, %broadcast_in_dim3A_31 : vector<16xf32>
      %mul3A_247 = arith.mulf %sub3A_245, %sub3A_245 : vector<16xf32>
      %select_n3A_248 = arith.select %eq3A_246, %broadcast_in_dim3A_31, %mul3A_247 : vector<16xi1>, vector<16xf32>
      %add3A_249 = arith.addf %scan3A_200, %select_n3A_248 : vector<16xf32>
      %mul3A_250 = arith.constant 4 : i32
      %mul3A_251 = arith.muli %scan3A_198, %mul3A_250 : i32
      %add3A_252 = arith.constant 2 : i32
      %add3A_253 = arith.addi %mul3A_251, %add3A_252 : i32
      %mul3A_254 = arith.constant 16 : i32
      %mul3A_255 = arith.muli %add3A_253, %mul3A_254 : i32
      %get3A_256 = arith.constant 1 : i32
      %get3A_257 = arith.index_cast %get3A_256 : i32 to index
      %get3A_258 = arith.index_cast %mul3A_255 : i32 to index
      %get3A_259 = tpu.vector_load %arg7[%get3A_257, %get3A_258] {strides = array<i32>} : memref<2x8192xf32, #tpu.memory_space<vmem>>, vector<16xf32>,
      %get3A_260 = arith.constant 1 : i32
      %get3A_261 = arith.index_cast %get3A_260 : i32 to index
      %get3A_262 = arith.index_cast %mul3A_255 : i32 to index
      %get3A_263 = tpu.vector_load %arg8[%get3A_261, %get3A_262] {strides = array<i32>} : memref<2x8192xf32, #tpu.memory_space<vmem>>, vector<16xf32>,
      %sub3A_264 = arith.subf %get3A_263, %broadcast_in_dim3A : vector<16xf32>
      %mul3A_265 = arith.mulf %sub3A_264, %div3A : vector<16xf32>
      %max3A_266 = arith.maximumf %mul3A_265, %broadcast_in_dim3A_31 : vector<16xf32>
      %min3A_267 = arith.minimumf %max3A_266, %broadcast_in_dim3A_33 : vector<16xf32>
      %convert_element_type3A_268 = arith.fptosi %min3A_267 : vector<16xf32> to vector<16xi32>
      %gather3A_269 = tpu.vector_load_idx %arg10[%convert_element_type3A_268] : memref<16xf32, #tpu.memory_space<vmem>>[vector<16xi32>], vector<16xf32>,
      %sub3A_270 = arith.subf %get3A_259, %get3A_263 : vector<16xf32>
      %abs3A_271 = math.absf %sub3A_270 : vector<16xf32>
      %sub3A_272 = arith.subf %abs3A_271, %gather3A_269 : vector<16xf32>
      %eq3A_273 = arith.cmpf oeq, %sub3A_270, %broadcast_in_dim3A_31 : vector<16xf32>
      %mul3A_274 = arith.mulf %sub3A_272, %sub3A_272 : vector<16xf32>
      %select_n3A_275 = arith.select %eq3A_273, %broadcast_in_dim3A_31, %mul3A_274 : vector<16xi1>, vector<16xf32>
      %add3A_276 = arith.addf %scan3A_201, %select_n3A_275 : vector<16xf32>
      %mul3A_277 = arith.constant 4 : i32
      %mul3A_278 = arith.muli %scan3A_198, %mul3A_277 : i32
      %add3A_279 = arith.constant 3 : i32
      %add3A_280 = arith.addi %mul3A_278, %add3A_279 : i32
      %mul3A_281 = arith.constant 16 : i32
      %mul3A_282 = arith.muli %add3A_280, %mul3A_281 : i32
      %get3A_283 = arith.constant 1 : i32
      %get3A_284 = arith.index_cast %get3A_283 : i32 to index
      %get3A_285 = arith.index_cast %mul3A_282 : i32 to index
      %get3A_286 = tpu.vector_load %arg7[%get3A_284, %get3A_285] {strides = array<i32>} : memref<2x8192xf32, #tpu.memory_space<vmem>>, vector<16xf32>,
      %get3A_287 = arith.constant 1 : i32
      %get3A_288 = arith.index_cast %get3A_287 : i32 to index
      %get3A_289 = arith.index_cast %mul3A_282 : i32 to index
      %get3A_290 = tpu.vector_load %arg8[%get3A_288, %get3A_289] {strides = array<i32>} : memref<2x8192xf32, #tpu.memory_space<vmem>>, vector<16xf32>,
      %sub3A_291 = arith.subf %get3A_290, %broadcast_in_dim3A : vector<16xf32>
      %mul3A_292 = arith.mulf %sub3A_291, %div3A : vector<16xf32>
      %max3A_293 = arith.maximumf %mul3A_292, %broadcast_in_dim3A_31 : vector<16xf32>
      %min3A_294 = arith.minimumf %max3A_293, %broadcast_in_dim3A_33 : vector<16xf32>
      %convert_element_type3A_295 = arith.fptosi %min3A_294 : vector<16xf32> to vector<16xi32>
      %gather3A_296 = tpu.vector_load_idx %arg10[%convert_element_type3A_295] : memref<16xf32, #tpu.memory_space<vmem>>[vector<16xi32>], vector<16xf32>,
      %sub3A_297 = arith.subf %get3A_286, %get3A_290 : vector<16xf32>
      %abs3A_298 = math.absf %sub3A_297 : vector<16xf32>
      %sub3A_299 = arith.subf %abs3A_298, %gather3A_296 : vector<16xf32>
      %eq3A_300 = arith.cmpf oeq, %sub3A_297, %broadcast_in_dim3A_31 : vector<16xf32>
      %mul3A_301 = arith.mulf %sub3A_299, %sub3A_299 : vector<16xf32>
      %select_n3A_302 = arith.select %eq3A_300, %broadcast_in_dim3A_31, %mul3A_301 : vector<16xi1>, vector<16xf32>
      %add3A_303 = arith.addf %scan3A_202, %select_n3A_302 : vector<16xf32>
      scf.yield %add3A_222, %add3A_249, %add3A_276, %add3A_303 : vector<16xf32>, vector<16xf32>, vector<16xf32>, vector<16xf32>
    }
    %scan3A_123 = arith.constant 128 : i32
    %add3A_124 = arith.constant 24576 : i32
    %add3A_125 = arith.addi %mul3A_2, %add3A_124 : i32
    %dma_start3A_126 = arith.constant 1 : i32
    %dma_start3A_127 = arith.constant 0 : i32
    %dma_start3A_128 = tpu.memref_slice %arg7[%dma_start3A_126, %dma_start3A_127] : memref<2x8192xf32, #tpu.memory_space<vmem>> -> memref<1x8192xf32, #tpu.memory_space<vmem>>
    %dma_start3A_129 = tpu.memref_squeeze %dma_start3A_128 : memref<1x8192xf32, #tpu.memory_space<vmem>> -> memref<8192xf32, #tpu.memory_space<vmem>>
    %dma_start3A_130 = tpu.memref_slice %arg2[%add3A_125] : memref<1048576xf32, #tpu.memory_space<hbm>> -> memref<8192xf32, #tpu.memory_space<hbm>>
    %dma_start3A_131 = arith.constant 0 : i32
    %dma_start3A_132 = tpu.memref_slice %arg7[%dma_start3A_126, %dma_start3A_131] : memref<2x8192xf32, #tpu.memory_space<vmem>> -> memref<1x8192xf32, #tpu.memory_space<vmem>>
    %dma_start3A_133 = tpu.memref_squeeze %dma_start3A_132 : memref<1x8192xf32, #tpu.memory_space<vmem>> -> memref<8192xf32, #tpu.memory_space<vmem>>
    %dma_start3A_134 = tpu.memref_slice %arg2[%add3A_125] : memref<1048576xf32, #tpu.memory_space<hbm>> -> memref<8192xf32, #tpu.memory_space<hbm>>
    tpu.enqueue_dma source(%dma_start3A_134 : memref<8192xf32, #tpu.memory_space<hbm>>) target(%dma_start3A_133 : memref<8192xf32, #tpu.memory_space<vmem>>) target_semaphore(%arg13 : memref<!tpu.dma_semaphore, #tpu.memory_space<semaphore_mem>>)
    %add3A_135 = arith.constant 24576 : i32
    %add3A_136 = arith.addi %mul3A_2, %add3A_135 : i32
    %dma_start3A_137 = arith.constant 1 : i32
    %dma_start3A_138 = arith.constant 0 : i32
    %dma_start3A_139 = tpu.memref_slice %arg8[%dma_start3A_137, %dma_start3A_138] : memref<2x8192xf32, #tpu.memory_space<vmem>> -> memref<1x8192xf32, #tpu.memory_space<vmem>>
    %dma_start3A_140 = tpu.memref_squeeze %dma_start3A_139 : memref<1x8192xf32, #tpu.memory_space<vmem>> -> memref<8192xf32, #tpu.memory_space<vmem>>
    %dma_start3A_141 = tpu.memref_slice %arg3[%add3A_136] : memref<1048576xf32, #tpu.memory_space<hbm>> -> memref<8192xf32, #tpu.memory_space<hbm>>
    %dma_start3A_142 = arith.constant 0 : i32
    %dma_start3A_143 = tpu.memref_slice %arg8[%dma_start3A_137, %dma_start3A_142] : memref<2x8192xf32, #tpu.memory_space<vmem>> -> memref<1x8192xf32, #tpu.memory_space<vmem>>
    %dma_start3A_144 = tpu.memref_squeeze %dma_start3A_143 : memref<1x8192xf32, #tpu.memory_space<vmem>> -> memref<8192xf32, #tpu.memory_space<vmem>>
    %dma_start3A_145 = tpu.memref_slice %arg3[%add3A_136] : memref<1048576xf32, #tpu.memory_space<hbm>> -> memref<8192xf32, #tpu.memory_space<hbm>>
    tpu.enqueue_dma source(%dma_start3A_145 : memref<8192xf32, #tpu.memory_space<hbm>>) target(%dma_start3A_144 : memref<8192xf32, #tpu.memory_space<vmem>>) target_semaphore(%arg15 : memref<!tpu.dma_semaphore, #tpu.memory_space<semaphore_mem>>)
    %dma_wait3A_146 = arith.constant 0 : i32
    %dma_wait3A_147 = arith.constant 0 : i32
    %dma_wait3A_148 = tpu.memref_slice %arg8[%dma_wait3A_146, %dma_wait3A_147] : memref<2x8192xf32, #tpu.memory_space<vmem>> -> memref<1x8192xf32, #tpu.memory_space<vmem>>
    %dma_wait3A_149 = tpu.memref_squeeze %dma_wait3A_148 : memref<1x8192xf32, #tpu.memory_space<vmem>> -> memref<8192xf32, #tpu.memory_space<vmem>>
    %dma_wait3A_150 = tpu.memref_slice %arg3[%add3A_90] : memref<1048576xf32, #tpu.memory_space<hbm>> -> memref<8192xf32, #tpu.memory_space<hbm>>
    %dma_wait3A_151 = arith.constant 0 : i32
    %dma_wait3A_152 = tpu.memref_slice %arg8[%dma_wait3A_146, %dma_wait3A_151] : memref<2x8192xf32, #tpu.memory_space<vmem>> -> memref<1x8192xf32, #tpu.memory_space<vmem>>
    %dma_wait3A_153 = tpu.memref_squeeze %dma_wait3A_152 : memref<1x8192xf32, #tpu.memory_space<vmem>> -> memref<8192xf32, #tpu.memory_space<vmem>>
    %dma_wait3A_154 = tpu.memref_slice %arg3[%add3A_90] : memref<1048576xf32, #tpu.memory_space<hbm>> -> memref<8192xf32, #tpu.memory_space<hbm>>
    tpu.wait_dma2 semaphore(%arg14 : memref<!tpu.dma_semaphore, #tpu.memory_space<semaphore_mem>>) src(%dma_wait3A_154 : memref<8192xf32, #tpu.memory_space<hbm>>) dst(%dma_wait3A_153 : memref<8192xf32, #tpu.memory_space<vmem>>)
    %dma_wait3A_155 = arith.constant 0 : i32
    %dma_wait3A_156 = arith.constant 0 : i32
    %dma_wait3A_157 = tpu.memref_slice %arg7[%dma_wait3A_155, %dma_wait3A_156] : memref<2x8192xf32, #tpu.memory_space<vmem>> -> memref<1x8192xf32, #tpu.memory_space<vmem>>
    %dma_wait3A_158 = tpu.memref_squeeze %dma_wait3A_157 : memref<1x8192xf32, #tpu.memory_space<vmem>> -> memref<8192xf32, #tpu.memory_space<vmem>>
    %dma_wait3A_159 = tpu.memref_slice %arg2[%add3A_79] : memref<1048576xf32, #tpu.memory_space<hbm>> -> memref<8192xf32, #tpu.memory_space<hbm>>
    %dma_wait3A_160 = arith.constant 0 : i32
    %dma_wait3A_161 = tpu.memref_slice %arg7[%dma_wait3A_155, %dma_wait3A_160] : memref<2x8192xf32, #tpu.memory_space<vmem>> -> memref<1x8192xf32, #tpu.memory_space<vmem>>
    %dma_wait3A_162 = tpu.memref_squeeze %dma_wait3A_161 : memref<1x8192xf32, #tpu.memory_space<vmem>> -> memref<8192xf32, #tpu.memory_space<vmem>>
    %dma_wait3A_163 = tpu.memref_slice %arg2[%add3A_79] : memref<1048576xf32, #tpu.memory_space<hbm>> -> memref<8192xf32, #tpu.memory_space<hbm>>
    tpu.wait_dma2 semaphore(%arg12 : memref<!tpu.dma_semaphore, #tpu.memory_space<semaphore_mem>>) src(%dma_wait3A_163 : memref<8192xf32, #tpu.memory_space<hbm>>) dst(%dma_wait3A_162 : memref<8192xf32, #tpu.memory_space<vmem>>)
    %scan3A_164 = arith.constant 0 : i32
    %scan3A_165 = arith.constant 128 : i32
    %scan3A_166 = arith.addi %scan3A_164, %scan3A_165 : i32
    %scan3A_167 = arith.constant 1 : i32
    %scan3A_168:4 = scf.for %scan3A_198 = %scan3A_164 to %scan3A_166 step %scan3A_167 iter_args(%scan3A_199 = %scan3A_122#0, %scan3A_200 = %scan3A_122#1, %scan3A_201 = %scan3A_122#2, %scan3A_202 = %scan3A_122#3) -> (vector<16xf32>, vector<16xf32>, vector<16xf32>, vector<16xf32>)  : i32 {
      %mul3A_203 = arith.constant 4 : i32
      %mul3A_204 = arith.muli %scan3A_198, %mul3A_203 : i32
      %add3A_205 = arith.constant 0 : i32
      %add3A_206 = arith.addi %mul3A_204, %add3A_205 : i32
      %mul3A_207 = arith.constant 16 : i32
      %mul3A_208 = arith.muli %add3A_206, %mul3A_207 : i32
      %get3A_209 = arith.constant 0 : i32
      %get3A_210 = arith.index_cast %get3A_209 : i32 to index
      %get3A_211 = arith.index_cast %mul3A_208 : i32 to index
      %get3A_212 = tpu.vector_load %arg7[%get3A_210, %get3A_211] {strides = array<i32>} : memref<2x8192xf32, #tpu.memory_space<vmem>>, vector<16xf32>,
      %get3A_213 = arith.constant 0 : i32
      %get3A_214 = arith.index_cast %get3A_213 : i32 to index
      %get3A_215 = arith.index_cast %mul3A_208 : i32 to index
      %get3A_216 = tpu.vector_load %arg8[%get3A_214, %get3A_215] {strides = array<i32>} : memref<2x8192xf32, #tpu.memory_space<vmem>>, vector<16xf32>,
      %sub3A_217 = arith.subf %get3A_216, %broadcast_in_dim3A : vector<16xf32>
      %mul3A_218 = arith.mulf %sub3A_217, %div3A : vector<16xf32>
      %max3A = arith.maximumf %mul3A_218, %broadcast_in_dim3A_31 : vector<16xf32>
      %min3A = arith.minimumf %max3A, %broadcast_in_dim3A_33 : vector<16xf32>
      %convert_element_type3A = arith.fptosi %min3A : vector<16xf32> to vector<16xi32>
      %gather3A = tpu.vector_load_idx %arg10[%convert_element_type3A] : memref<16xf32, #tpu.memory_space<vmem>>[vector<16xi32>], vector<16xf32>,
      %sub3A_219 = arith.subf %get3A_212, %get3A_216 : vector<16xf32>
      %abs3A = math.absf %sub3A_219 : vector<16xf32>
      %sub3A_220 = arith.subf %abs3A, %gather3A : vector<16xf32>
      %eq3A = arith.cmpf oeq, %sub3A_219, %broadcast_in_dim3A_31 : vector<16xf32>
      %mul3A_221 = arith.mulf %sub3A_220, %sub3A_220 : vector<16xf32>
      %select_n3A = arith.select %eq3A, %broadcast_in_dim3A_31, %mul3A_221 : vector<16xi1>, vector<16xf32>
      %add3A_222 = arith.addf %scan3A_199, %select_n3A : vector<16xf32>
      %mul3A_223 = arith.constant 4 : i32
      %mul3A_224 = arith.muli %scan3A_198, %mul3A_223 : i32
      %add3A_225 = arith.constant 1 : i32
      %add3A_226 = arith.addi %mul3A_224, %add3A_225 : i32
      %mul3A_227 = arith.constant 16 : i32
      %mul3A_228 = arith.muli %add3A_226, %mul3A_227 : i32
      %get3A_229 = arith.constant 0 : i32
      %get3A_230 = arith.index_cast %get3A_229 : i32 to index
      %get3A_231 = arith.index_cast %mul3A_228 : i32 to index
      %get3A_232 = tpu.vector_load %arg7[%get3A_230, %get3A_231] {strides = array<i32>} : memref<2x8192xf32, #tpu.memory_space<vmem>>, vector<16xf32>,
      %get3A_233 = arith.constant 0 : i32
      %get3A_234 = arith.index_cast %get3A_233 : i32 to index
      %get3A_235 = arith.index_cast %mul3A_228 : i32 to index
      %get3A_236 = tpu.vector_load %arg8[%get3A_234, %get3A_235] {strides = array<i32>} : memref<2x8192xf32, #tpu.memory_space<vmem>>, vector<16xf32>,
      %sub3A_237 = arith.subf %get3A_236, %broadcast_in_dim3A : vector<16xf32>
      %mul3A_238 = arith.mulf %sub3A_237, %div3A : vector<16xf32>
      %max3A_239 = arith.maximumf %mul3A_238, %broadcast_in_dim3A_31 : vector<16xf32>
      %min3A_240 = arith.minimumf %max3A_239, %broadcast_in_dim3A_33 : vector<16xf32>
      %convert_element_type3A_241 = arith.fptosi %min3A_240 : vector<16xf32> to vector<16xi32>
      %gather3A_242 = tpu.vector_load_idx %arg10[%convert_element_type3A_241] : memref<16xf32, #tpu.memory_space<vmem>>[vector<16xi32>], vector<16xf32>,
      %sub3A_243 = arith.subf %get3A_232, %get3A_236 : vector<16xf32>
      %abs3A_244 = math.absf %sub3A_243 : vector<16xf32>
      %sub3A_245 = arith.subf %abs3A_244, %gather3A_242 : vector<16xf32>
      %eq3A_246 = arith.cmpf oeq, %sub3A_243, %broadcast_in_dim3A_31 : vector<16xf32>
      %mul3A_247 = arith.mulf %sub3A_245, %sub3A_245 : vector<16xf32>
      %select_n3A_248 = arith.select %eq3A_246, %broadcast_in_dim3A_31, %mul3A_247 : vector<16xi1>, vector<16xf32>
      %add3A_249 = arith.addf %scan3A_200, %select_n3A_248 : vector<16xf32>
      %mul3A_250 = arith.constant 4 : i32
      %mul3A_251 = arith.muli %scan3A_198, %mul3A_250 : i32
      %add3A_252 = arith.constant 2 : i32
      %add3A_253 = arith.addi %mul3A_251, %add3A_252 : i32
      %mul3A_254 = arith.constant 16 : i32
      %mul3A_255 = arith.muli %add3A_253, %mul3A_254 : i32
      %get3A_256 = arith.constant 0 : i32
      %get3A_257 = arith.index_cast %get3A_256 : i32 to index
      %get3A_258 = arith.index_cast %mul3A_255 : i32 to index
      %get3A_259 = tpu.vector_load %arg7[%get3A_257, %get3A_258] {strides = array<i32>} : memref<2x8192xf32, #tpu.memory_space<vmem>>, vector<16xf32>,
      %get3A_260 = arith.constant 0 : i32
      %get3A_261 = arith.index_cast %get3A_260 : i32 to index
      %get3A_262 = arith.index_cast %mul3A_255 : i32 to index
      %get3A_263 = tpu.vector_load %arg8[%get3A_261, %get3A_262] {strides = array<i32>} : memref<2x8192xf32, #tpu.memory_space<vmem>>, vector<16xf32>,
      %sub3A_264 = arith.subf %get3A_263, %broadcast_in_dim3A : vector<16xf32>
      %mul3A_265 = arith.mulf %sub3A_264, %div3A : vector<16xf32>
      %max3A_266 = arith.maximumf %mul3A_265, %broadcast_in_dim3A_31 : vector<16xf32>
      %min3A_267 = arith.minimumf %max3A_266, %broadcast_in_dim3A_33 : vector<16xf32>
      %convert_element_type3A_268 = arith.fptosi %min3A_267 : vector<16xf32> to vector<16xi32>
      %gather3A_269 = tpu.vector_load_idx %arg10[%convert_element_type3A_268] : memref<16xf32, #tpu.memory_space<vmem>>[vector<16xi32>], vector<16xf32>,
      %sub3A_270 = arith.subf %get3A_259, %get3A_263 : vector<16xf32>
      %abs3A_271 = math.absf %sub3A_270 : vector<16xf32>
      %sub3A_272 = arith.subf %abs3A_271, %gather3A_269 : vector<16xf32>
      %eq3A_273 = arith.cmpf oeq, %sub3A_270, %broadcast_in_dim3A_31 : vector<16xf32>
      %mul3A_274 = arith.mulf %sub3A_272, %sub3A_272 : vector<16xf32>
      %select_n3A_275 = arith.select %eq3A_273, %broadcast_in_dim3A_31, %mul3A_274 : vector<16xi1>, vector<16xf32>
      %add3A_276 = arith.addf %scan3A_201, %select_n3A_275 : vector<16xf32>
      %mul3A_277 = arith.constant 4 : i32
      %mul3A_278 = arith.muli %scan3A_198, %mul3A_277 : i32
      %add3A_279 = arith.constant 3 : i32
      %add3A_280 = arith.addi %mul3A_278, %add3A_279 : i32
      %mul3A_281 = arith.constant 16 : i32
      %mul3A_282 = arith.muli %add3A_280, %mul3A_281 : i32
      %get3A_283 = arith.constant 0 : i32
      %get3A_284 = arith.index_cast %get3A_283 : i32 to index
      %get3A_285 = arith.index_cast %mul3A_282 : i32 to index
      %get3A_286 = tpu.vector_load %arg7[%get3A_284, %get3A_285] {strides = array<i32>} : memref<2x8192xf32, #tpu.memory_space<vmem>>, vector<16xf32>,
      %get3A_287 = arith.constant 0 : i32
      %get3A_288 = arith.index_cast %get3A_287 : i32 to index
      %get3A_289 = arith.index_cast %mul3A_282 : i32 to index
      %get3A_290 = tpu.vector_load %arg8[%get3A_288, %get3A_289] {strides = array<i32>} : memref<2x8192xf32, #tpu.memory_space<vmem>>, vector<16xf32>,
      %sub3A_291 = arith.subf %get3A_290, %broadcast_in_dim3A : vector<16xf32>
      %mul3A_292 = arith.mulf %sub3A_291, %div3A : vector<16xf32>
      %max3A_293 = arith.maximumf %mul3A_292, %broadcast_in_dim3A_31 : vector<16xf32>
      %min3A_294 = arith.minimumf %max3A_293, %broadcast_in_dim3A_33 : vector<16xf32>
      %convert_element_type3A_295 = arith.fptosi %min3A_294 : vector<16xf32> to vector<16xi32>
      %gather3A_296 = tpu.vector_load_idx %arg10[%convert_element_type3A_295] : memref<16xf32, #tpu.memory_space<vmem>>[vector<16xi32>], vector<16xf32>,
      %sub3A_297 = arith.subf %get3A_286, %get3A_290 : vector<16xf32>
      %abs3A_298 = math.absf %sub3A_297 : vector<16xf32>
      %sub3A_299 = arith.subf %abs3A_298, %gather3A_296 : vector<16xf32>
      %eq3A_300 = arith.cmpf oeq, %sub3A_297, %broadcast_in_dim3A_31 : vector<16xf32>
      %mul3A_301 = arith.mulf %sub3A_299, %sub3A_299 : vector<16xf32>
      %select_n3A_302 = arith.select %eq3A_300, %broadcast_in_dim3A_31, %mul3A_301 : vector<16xi1>, vector<16xf32>
      %add3A_303 = arith.addf %scan3A_202, %select_n3A_302 : vector<16xf32>
      scf.yield %add3A_222, %add3A_249, %add3A_276, %add3A_303 : vector<16xf32>, vector<16xf32>, vector<16xf32>, vector<16xf32>
    }
    %scan3A_169 = arith.constant 128 : i32
    %dma_wait3A_170 = arith.constant 1 : i32
    %dma_wait3A_171 = arith.constant 0 : i32
    %dma_wait3A_172 = tpu.memref_slice %arg8[%dma_wait3A_170, %dma_wait3A_171] : memref<2x8192xf32, #tpu.memory_space<vmem>> -> memref<1x8192xf32, #tpu.memory_space<vmem>>
    %dma_wait3A_173 = tpu.memref_squeeze %dma_wait3A_172 : memref<1x8192xf32, #tpu.memory_space<vmem>> -> memref<8192xf32, #tpu.memory_space<vmem>>
    %dma_wait3A_174 = tpu.memref_slice %arg3[%add3A_136] : memref<1048576xf32, #tpu.memory_space<hbm>> -> memref<8192xf32, #tpu.memory_space<hbm>>
    %dma_wait3A_175 = arith.constant 0 : i32
    %dma_wait3A_176 = tpu.memref_slice %arg8[%dma_wait3A_170, %dma_wait3A_175] : memref<2x8192xf32, #tpu.memory_space<vmem>> -> memref<1x8192xf32, #tpu.memory_space<vmem>>
    %dma_wait3A_177 = tpu.memref_squeeze %dma_wait3A_176 : memref<1x8192xf32, #tpu.memory_space<vmem>> -> memref<8192xf32, #tpu.memory_space<vmem>>
    %dma_wait3A_178 = tpu.memref_slice %arg3[%add3A_136] : memref<1048576xf32, #tpu.memory_space<hbm>> -> memref<8192xf32, #tpu.memory_space<hbm>>
    tpu.wait_dma2 semaphore(%arg15 : memref<!tpu.dma_semaphore, #tpu.memory_space<semaphore_mem>>) src(%dma_wait3A_178 : memref<8192xf32, #tpu.memory_space<hbm>>) dst(%dma_wait3A_177 : memref<8192xf32, #tpu.memory_space<vmem>>)
    %dma_wait3A_179 = arith.constant 1 : i32
    %dma_wait3A_180 = arith.constant 0 : i32
    %dma_wait3A_181 = tpu.memref_slice %arg7[%dma_wait3A_179, %dma_wait3A_180] : memref<2x8192xf32, #tpu.memory_space<vmem>> -> memref<1x8192xf32, #tpu.memory_space<vmem>>
    %dma_wait3A_182 = tpu.memref_squeeze %dma_wait3A_181 : memref<1x8192xf32, #tpu.memory_space<vmem>> -> memref<8192xf32, #tpu.memory_space<vmem>>
    %dma_wait3A_183 = tpu.memref_slice %arg2[%add3A_125] : memref<1048576xf32, #tpu.memory_space<hbm>> -> memref<8192xf32, #tpu.memory_space<hbm>>
    %dma_wait3A_184 = arith.constant 0 : i32
    %dma_wait3A_185 = tpu.memref_slice %arg7[%dma_wait3A_179, %dma_wait3A_184] : memref<2x8192xf32, #tpu.memory_space<vmem>> -> memref<1x8192xf32, #tpu.memory_space<vmem>>
    %dma_wait3A_186 = tpu.memref_squeeze %dma_wait3A_185 : memref<1x8192xf32, #tpu.memory_space<vmem>> -> memref<8192xf32, #tpu.memory_space<vmem>>
    %dma_wait3A_187 = tpu.memref_slice %arg2[%add3A_125] : memref<1048576xf32, #tpu.memory_space<hbm>> -> memref<8192xf32, #tpu.memory_space<hbm>>
    tpu.wait_dma2 semaphore(%arg13 : memref<!tpu.dma_semaphore, #tpu.memory_space<semaphore_mem>>) src(%dma_wait3A_187 : memref<8192xf32, #tpu.memory_space<hbm>>) dst(%dma_wait3A_186 : memref<8192xf32, #tpu.memory_space<vmem>>)
    %scan3A_188 = arith.constant 0 : i32
    %scan3A_189 = arith.constant 128 : i32
    %scan3A_190 = arith.addi %scan3A_188, %scan3A_189 : i32
    %scan3A_191 = arith.constant 1 : i32
    %scan3A_192:4 = scf.for %scan3A_198 = %scan3A_188 to %scan3A_190 step %scan3A_191 iter_args(%scan3A_199 = %scan3A_168#0, %scan3A_200 = %scan3A_168#1, %scan3A_201 = %scan3A_168#2, %scan3A_202 = %scan3A_168#3) -> (vector<16xf32>, vector<16xf32>, vector<16xf32>, vector<16xf32>)  : i32 {
      %mul3A_203 = arith.constant 4 : i32
      %mul3A_204 = arith.muli %scan3A_198, %mul3A_203 : i32
      %add3A_205 = arith.constant 0 : i32
      %add3A_206 = arith.addi %mul3A_204, %add3A_205 : i32
      %mul3A_207 = arith.constant 16 : i32
      %mul3A_208 = arith.muli %add3A_206, %mul3A_207 : i32
      %get3A_209 = arith.constant 1 : i32
      %get3A_210 = arith.index_cast %get3A_209 : i32 to index
      %get3A_211 = arith.index_cast %mul3A_208 : i32 to index
      %get3A_212 = tpu.vector_load %arg7[%get3A_210, %get3A_211] {strides = array<i32>} : memref<2x8192xf32, #tpu.memory_space<vmem>>, vector<16xf32>,
      %get3A_213 = arith.constant 1 : i32
      %get3A_214 = arith.index_cast %get3A_213 : i32 to index
      %get3A_215 = arith.index_cast %mul3A_208 : i32 to index
      %get3A_216 = tpu.vector_load %arg8[%get3A_214, %get3A_215] {strides = array<i32>} : memref<2x8192xf32, #tpu.memory_space<vmem>>, vector<16xf32>,
      %sub3A_217 = arith.subf %get3A_216, %broadcast_in_dim3A : vector<16xf32>
      %mul3A_218 = arith.mulf %sub3A_217, %div3A : vector<16xf32>
      %max3A = arith.maximumf %mul3A_218, %broadcast_in_dim3A_31 : vector<16xf32>
      %min3A = arith.minimumf %max3A, %broadcast_in_dim3A_33 : vector<16xf32>
      %convert_element_type3A = arith.fptosi %min3A : vector<16xf32> to vector<16xi32>
      %gather3A = tpu.vector_load_idx %arg10[%convert_element_type3A] : memref<16xf32, #tpu.memory_space<vmem>>[vector<16xi32>], vector<16xf32>,
      %sub3A_219 = arith.subf %get3A_212, %get3A_216 : vector<16xf32>
      %abs3A = math.absf %sub3A_219 : vector<16xf32>
      %sub3A_220 = arith.subf %abs3A, %gather3A : vector<16xf32>
      %eq3A = arith.cmpf oeq, %sub3A_219, %broadcast_in_dim3A_31 : vector<16xf32>
      %mul3A_221 = arith.mulf %sub3A_220, %sub3A_220 : vector<16xf32>
      %select_n3A = arith.select %eq3A, %broadcast_in_dim3A_31, %mul3A_221 : vector<16xi1>, vector<16xf32>
      %add3A_222 = arith.addf %scan3A_199, %select_n3A : vector<16xf32>
      %mul3A_223 = arith.constant 4 : i32
      %mul3A_224 = arith.muli %scan3A_198, %mul3A_223 : i32
      %add3A_225 = arith.constant 1 : i32
      %add3A_226 = arith.addi %mul3A_224, %add3A_225 : i32
      %mul3A_227 = arith.constant 16 : i32
      %mul3A_228 = arith.muli %add3A_226, %mul3A_227 : i32
      %get3A_229 = arith.constant 1 : i32
      %get3A_230 = arith.index_cast %get3A_229 : i32 to index
      %get3A_231 = arith.index_cast %mul3A_228 : i32 to index
      %get3A_232 = tpu.vector_load %arg7[%get3A_230, %get3A_231] {strides = array<i32>} : memref<2x8192xf32, #tpu.memory_space<vmem>>, vector<16xf32>,
      %get3A_233 = arith.constant 1 : i32
      %get3A_234 = arith.index_cast %get3A_233 : i32 to index
      %get3A_235 = arith.index_cast %mul3A_228 : i32 to index
      %get3A_236 = tpu.vector_load %arg8[%get3A_234, %get3A_235] {strides = array<i32>} : memref<2x8192xf32, #tpu.memory_space<vmem>>, vector<16xf32>,
      %sub3A_237 = arith.subf %get3A_236, %broadcast_in_dim3A : vector<16xf32>
      %mul3A_238 = arith.mulf %sub3A_237, %div3A : vector<16xf32>
      %max3A_239 = arith.maximumf %mul3A_238, %broadcast_in_dim3A_31 : vector<16xf32>
      %min3A_240 = arith.minimumf %max3A_239, %broadcast_in_dim3A_33 : vector<16xf32>
      %convert_element_type3A_241 = arith.fptosi %min3A_240 : vector<16xf32> to vector<16xi32>
      %gather3A_242 = tpu.vector_load_idx %arg10[%convert_element_type3A_241] : memref<16xf32, #tpu.memory_space<vmem>>[vector<16xi32>], vector<16xf32>,
      %sub3A_243 = arith.subf %get3A_232, %get3A_236 : vector<16xf32>
      %abs3A_244 = math.absf %sub3A_243 : vector<16xf32>
      %sub3A_245 = arith.subf %abs3A_244, %gather3A_242 : vector<16xf32>
      %eq3A_246 = arith.cmpf oeq, %sub3A_243, %broadcast_in_dim3A_31 : vector<16xf32>
      %mul3A_247 = arith.mulf %sub3A_245, %sub3A_245 : vector<16xf32>
      %select_n3A_248 = arith.select %eq3A_246, %broadcast_in_dim3A_31, %mul3A_247 : vector<16xi1>, vector<16xf32>
      %add3A_249 = arith.addf %scan3A_200, %select_n3A_248 : vector<16xf32>
      %mul3A_250 = arith.constant 4 : i32
      %mul3A_251 = arith.muli %scan3A_198, %mul3A_250 : i32
      %add3A_252 = arith.constant 2 : i32
      %add3A_253 = arith.addi %mul3A_251, %add3A_252 : i32
      %mul3A_254 = arith.constant 16 : i32
      %mul3A_255 = arith.muli %add3A_253, %mul3A_254 : i32
      %get3A_256 = arith.constant 1 : i32
      %get3A_257 = arith.index_cast %get3A_256 : i32 to index
      %get3A_258 = arith.index_cast %mul3A_255 : i32 to index
      %get3A_259 = tpu.vector_load %arg7[%get3A_257, %get3A_258] {strides = array<i32>} : memref<2x8192xf32, #tpu.memory_space<vmem>>, vector<16xf32>,
      %get3A_260 = arith.constant 1 : i32
      %get3A_261 = arith.index_cast %get3A_260 : i32 to index
      %get3A_262 = arith.index_cast %mul3A_255 : i32 to index
      %get3A_263 = tpu.vector_load %arg8[%get3A_261, %get3A_262] {strides = array<i32>} : memref<2x8192xf32, #tpu.memory_space<vmem>>, vector<16xf32>,
      %sub3A_264 = arith.subf %get3A_263, %broadcast_in_dim3A : vector<16xf32>
      %mul3A_265 = arith.mulf %sub3A_264, %div3A : vector<16xf32>
      %max3A_266 = arith.maximumf %mul3A_265, %broadcast_in_dim3A_31 : vector<16xf32>
      %min3A_267 = arith.minimumf %max3A_266, %broadcast_in_dim3A_33 : vector<16xf32>
      %convert_element_type3A_268 = arith.fptosi %min3A_267 : vector<16xf32> to vector<16xi32>
      %gather3A_269 = tpu.vector_load_idx %arg10[%convert_element_type3A_268] : memref<16xf32, #tpu.memory_space<vmem>>[vector<16xi32>], vector<16xf32>,
      %sub3A_270 = arith.subf %get3A_259, %get3A_263 : vector<16xf32>
      %abs3A_271 = math.absf %sub3A_270 : vector<16xf32>
      %sub3A_272 = arith.subf %abs3A_271, %gather3A_269 : vector<16xf32>
      %eq3A_273 = arith.cmpf oeq, %sub3A_270, %broadcast_in_dim3A_31 : vector<16xf32>
      %mul3A_274 = arith.mulf %sub3A_272, %sub3A_272 : vector<16xf32>
      %select_n3A_275 = arith.select %eq3A_273, %broadcast_in_dim3A_31, %mul3A_274 : vector<16xi1>, vector<16xf32>
      %add3A_276 = arith.addf %scan3A_201, %select_n3A_275 : vector<16xf32>
      %mul3A_277 = arith.constant 4 : i32
      %mul3A_278 = arith.muli %scan3A_198, %mul3A_277 : i32
      %add3A_279 = arith.constant 3 : i32
      %add3A_280 = arith.addi %mul3A_278, %add3A_279 : i32
      %mul3A_281 = arith.constant 16 : i32
      %mul3A_282 = arith.muli %add3A_280, %mul3A_281 : i32
      %get3A_283 = arith.constant 1 : i32
      %get3A_284 = arith.index_cast %get3A_283 : i32 to index
      %get3A_285 = arith.index_cast %mul3A_282 : i32 to index
      %get3A_286 = tpu.vector_load %arg7[%get3A_284, %get3A_285] {strides = array<i32>} : memref<2x8192xf32, #tpu.memory_space<vmem>>, vector<16xf32>,
      %get3A_287 = arith.constant 1 : i32
      %get3A_288 = arith.index_cast %get3A_287 : i32 to index
      %get3A_289 = arith.index_cast %mul3A_282 : i32 to index
      %get3A_290 = tpu.vector_load %arg8[%get3A_288, %get3A_289] {strides = array<i32>} : memref<2x8192xf32, #tpu.memory_space<vmem>>, vector<16xf32>,
      %sub3A_291 = arith.subf %get3A_290, %broadcast_in_dim3A : vector<16xf32>
      %mul3A_292 = arith.mulf %sub3A_291, %div3A : vector<16xf32>
      %max3A_293 = arith.maximumf %mul3A_292, %broadcast_in_dim3A_31 : vector<16xf32>
      %min3A_294 = arith.minimumf %max3A_293, %broadcast_in_dim3A_33 : vector<16xf32>
      %convert_element_type3A_295 = arith.fptosi %min3A_294 : vector<16xf32> to vector<16xi32>
      %gather3A_296 = tpu.vector_load_idx %arg10[%convert_element_type3A_295] : memref<16xf32, #tpu.memory_space<vmem>>[vector<16xi32>], vector<16xf32>,
      %sub3A_297 = arith.subf %get3A_286, %get3A_290 : vector<16xf32>
      %abs3A_298 = math.absf %sub3A_297 : vector<16xf32>
      %sub3A_299 = arith.subf %abs3A_298, %gather3A_296 : vector<16xf32>
      %eq3A_300 = arith.cmpf oeq, %sub3A_297, %broadcast_in_dim3A_31 : vector<16xf32>
      %mul3A_301 = arith.mulf %sub3A_299, %sub3A_299 : vector<16xf32>
      %select_n3A_302 = arith.select %eq3A_300, %broadcast_in_dim3A_31, %mul3A_301 : vector<16xi1>, vector<16xf32>
      %add3A_303 = arith.addf %scan3A_202, %select_n3A_302 : vector<16xf32>
      scf.yield %add3A_222, %add3A_249, %add3A_276, %add3A_303 : vector<16xf32>, vector<16xf32>, vector<16xf32>, vector<16xf32>
    }
    %scan3A_193 = arith.constant 128 : i32
    %add3A_194 = arith.addf %scan3A_192#0, %scan3A_192#1 : vector<16xf32>
    %add3A_195 = arith.addf %add3A_194, %scan3A_192#2 : vector<16xf32>
    %add3A_196 = arith.addf %add3A_195, %scan3A_192#3 : vector<16xf32>
    %swap3A = arith.constant 0 : index
    %swap3A_197 = tpu.vector_load %arg11[%swap3A] {strides = array<i32>} : memref<16xf32, #tpu.memory_space<vmem>>, vector<16xf32>,
    tpu.vector_store %arg11[%swap3A], %add3A_196 {strides = array<i32>} : memref<16xf32, #tpu.memory_space<vmem>>, vector<16xf32>,
    "tpu.region"() ({
      %run_scoped3A = tpu.sem_alloc : memref<!tpu.dma_semaphore, #tpu.memory_space<semaphore_mem>>
      %dma_start3A_198 = arith.constant 0 : i32
      %dma_start3A_199 = tpu.memref_slice %arg6[%add3A, %dma_start3A_198] : memref<32x16xf32, #tpu.memory_space<hbm>> -> memref<1x16xf32, #tpu.memory_space<hbm>>
      %dma_start3A_200 = tpu.memref_squeeze %dma_start3A_199 : memref<1x16xf32, #tpu.memory_space<hbm>> -> memref<16xf32, #tpu.memory_space<hbm>>
      %dma_start3A_201 = arith.constant 0 : i32
      %dma_start3A_202 = tpu.memref_slice %arg6[%add3A, %dma_start3A_201] : memref<32x16xf32, #tpu.memory_space<hbm>> -> memref<1x16xf32, #tpu.memory_space<hbm>>
      %dma_start3A_203 = tpu.memref_squeeze %dma_start3A_202 : memref<1x16xf32, #tpu.memory_space<hbm>> -> memref<16xf32, #tpu.memory_space<hbm>>
      tpu.enqueue_dma source(%arg11 : memref<16xf32, #tpu.memory_space<vmem>>) target(%dma_start3A_203 : memref<16xf32, #tpu.memory_space<hbm>>) target_semaphore(%run_scoped3A : memref<!tpu.dma_semaphore, #tpu.memory_space<semaphore_mem>>)
      %dma_wait3A_204 = arith.constant 0 : i32
      %dma_wait3A_205 = tpu.memref_slice %arg6[%add3A, %dma_wait3A_204] : memref<32x16xf32, #tpu.memory_space<hbm>> -> memref<1x16xf32, #tpu.memory_space<hbm>>
      %dma_wait3A_206 = tpu.memref_squeeze %dma_wait3A_205 : memref<1x16xf32, #tpu.memory_space<hbm>> -> memref<16xf32, #tpu.memory_space<hbm>>
      %dma_wait3A_207 = arith.constant 0 : i32
      %dma_wait3A_208 = tpu.memref_slice %arg6[%add3A, %dma_wait3A_207] : memref<32x16xf32, #tpu.memory_space<hbm>> -> memref<1x16xf32, #tpu.memory_space<hbm>>
      %dma_wait3A_209 = tpu.memref_squeeze %dma_wait3A_208 : memref<1x16xf32, #tpu.memory_space<hbm>> -> memref<16xf32, #tpu.memory_space<hbm>>
      tpu.wait_dma2 semaphore(%run_scoped3A : memref<!tpu.dma_semaphore, #tpu.memory_space<semaphore_mem>>) src(%arg11 : memref<16xf32, #tpu.memory_space<vmem>>) dst(%dma_wait3A_209 : memref<16xf32, #tpu.memory_space<hbm>>)
      tpu.yield
    }) : () -> ()
    return
  }
}

</mosaic_0001>

<sc_bundles>
// kernel: kernel.3.cloned.1.call-start
scs
__scs_entry_jumppad:
0x0: {  	(pc) =	sbr.rel $0x88, $3  }
0x1: {  	(tag) =	ssettag $0x0;
	lr =	simm.s32 $0x1  }
0x2: {  	[smem:$0x3F9D] =	sst lr;
	_ =	strace $0xD0000000  }
0x3: {  	_ = 	snop  }
0x4: {  	_ = 	snop  }
0x5: {  	_ = 	snop  }
0x6: {  	_ = 	snop  }
0x7: {  	_ = 	snop  }
__scs_overlays_trampoline_lowered:
0x8: {  	[smem:$0x3FAC] =	sst s0  }
0x9: {  	[smem:$0x3FAD] =	sst s1  }
0xa: {  	[smem:$0x3FAE] =	sst s2  }
0xb: {  	[smem:$0x3FAF] =	sst s3  }
0xc: {  	[smem:$0x3FB0] =	sst s4  }
0xd: {  	[smem:$0x3FB1] =	sst s5  }
0xe: {  	[smem:$0x3FB2] =	sst s6  }
0xf: {  	[smem:$0x3FB3] =	sst s7  }
0x10: {  	[smem:$0x3FB4] =	sst s8  }
0x11: {  	[smem:$0x3FB5] =	sst s9;
	s0 =	simm.s32 @!p0 $0x0  }
0x12: {  	s1 =	sld [smem:$0x3F9B];
	s0 =	simm.s32 @p0 $0x1  }
0x13: {  	[smem:$0x3FB6] =	sst s0;
	s0 =	simm.s32 @!p1 $0x0  }
0x14: {  	s2 =	sld [smem:$0x3F9A];
	s0 =	simm.s32 @p1 $0x1  }
0x15: {  	[smem:$0x3FB7] =	sst s0;
	s0 =	simm.s32 @!p2 $0x0  }
0x16: {  	s3 =	sld [smem:$0x3FDB];
	s0 =	simm.s32 @p2 $0x1  }
0x17: {  	s4 =	simm.s32 $0x1BF5;
	[smem:$0x3FB9] =	sst s0  }
0x18: {  	s0 =	sld [smem:$0x3F9C];
	_ =	swait.ge [sflag:s4], $0x0  }
0x19: {  	s7 =	sld [smem:$0x3F9D]  }
0x1a: {  	s8 =	sadd.s32 $0xFFFFE003, lr  }
0x1b: {  	s9 =	sadd.s32 $0xFFFFFEF7, lr;
	s5 =	simm.s32 $0xFFFFFFFF;
	p2 =	slt.u32 s8, $0xFFFFF086  }
0x1c: {  	p1 =	slt.u32 s9, $0xF7A;
	s5 =	simm.s32 @!p2 $0x0  }
0x1d: {  	s5 =	simm.s32 @p1 $0x1;
	p0 =	seq.s32 s7, s2  }
0x1e: {  	s7 =	smul.u32 @!p0 $0xF7A, s2;
	p2 =	seq.s32 @!p0 s5, $0x0  }
0x1f: {  	s9 =	smul.u32 $0xF7A, s1;
	s8 =	simm.s32 @!p0 $0x1BF5;
	p2 =	por !p2, p0  }
0x20: {  	[sflag:s8] =	ssyncset.s32 @!p0 $0xFFFFF086;
	s6 =	sadd.s32 @!p0 s3, s7;
	s7 =	simm.s32 @!p0 $0x108  }
0x21: {  	s3 =	sadd.s32 s3, s9;
	s6 =	sadd.s32 @!p0 $0x88, s6;
	s7 =	simm.s32 @p2 $0x1082  }
0x22: {  	[simem:s7], [sflag:s8] =	dma.local @!p0 [hbm:s6], $0xF7A  }
0x23: {  	s9 =	sor.u32 $0xD0000000, s2;
	s6 =	simm.s32 $0x108;
	_ =	swait.ge @!p0 [sflag:s8], $0x0  }
0x24: {  	s3 =	sadd.s32 $0x88, s3;
	s6 =	simm.s32 @!p1 $0x1082;
	[sflag:s4] =	ssyncset.s32 $0xFFFFF086  }
0x25: {  	[simem:s6], [sflag:s4] =	dma.local [hbm:s3], $0xF7A  }
0x26: {  	[smem:$0x3F9D] =	sst s1;
	(tag) =	ssettag s2;
	_ =	strace s9  }
0x27: {  	s1 =	sld [smem:$0x3FAD]  }
0x28: {  	s2 =	sld [smem:$0x3FAE]  }
0x29: {  	s4 =	sld [smem:$0x3FB0]  }
0x2a: {  	p0 =	seq.s32 s5, $0x0;
	s5 =	sld [smem:$0x3FB1]  }
0x2b: {  	s6 =	sld [smem:$0x3FB2]  }
0x2c: {  	s7 =	sld [smem:$0x3FB3]  }
0x2d: {  	s3 =	simm.s32 $0x108;
	s8 =	sld [smem:$0x3FB4]  }
0x2e: {  	s3 =	simm.s32 @!p0 $0x1082;
	s9 =	sld [smem:$0x3FB5]  }
0x2f: {  	lr =	sadd.s32 s0, s3;
	s0 =	sld [smem:$0x3FAC]  }
0x30: {  	s3 =	sld [smem:$0x3FAF]  }
0x31: {  	[smem:$0x3FB8] =	sst s10  }
0x32: {  	s10 =	sld [smem:$0x3FB6];
	_ =	sdelay $0x3  }
0x33: {  	p0 =	seq.s32 s10, $0x1;
	s10 =	sld [smem:$0x3FB8];
	_ =	sdelay $0x3  }
0x34: {  	[smem:$0x3FB8] =	sst s10  }
0x35: {  	s10 =	sld [smem:$0x3FB7];
	_ =	sdelay $0x3  }
0x36: {  	p1 =	seq.s32 s10, $0x1;
	s10 =	sld [smem:$0x3FB8];
	_ =	sdelay $0x3  }
0x37: {  	[smem:$0x3FB8] =	sst s10  }
0x38: {  	s10 =	sld [smem:$0x3FB9]  }
0x39: {  	_ = 	snop;
	(pc) =	sbr.ind lr, $3  }
0x3a: {  	_ = 	snop  }
0x3b: {  	_ = 	snop  }
0x3c: {  	p2 =	seq.s32 s10, $0x1;
	s10 =	sld [smem:$0x3FB8]  }
0x3d: {  	_ =	shalt  }
0x3e: {  	_ =	shalt  }
0x3f: {  	_ =	shalt  }
0x40: {  	_ =	shalt  }
0x41: {  	_ =	shalt  }
0x42: {  	_ =	shalt  }
0x43: {  	_ =	shalt  }
0x44: {  	_ =	shalt  }
0x45: {  	_ =	shalt  }
0x46: {  	_ =	shalt  }
0x47: {  	_ =	shalt  }
0x48: {  	_ =	shalt  }
0x49: {  	_ =	shalt  }
0x4a: {  	_ =	shalt  }
0x4b: {  	_ =	shalt  }
0x4c: {  	_ =	shalt  }
0x4d: {  	_ =	shalt  }
0x4e: {  	_ =	shalt  }
0x4f: {  	_ =	shalt  }
0x50: {  	_ =	shalt  }
0x51: {  	_ =	shalt  }
0x52: {  	_ =	shalt  }
0x53: {  	_ =	shalt  }
0x54: {  	_ =	shalt  }
0x55: {  	_ =	shalt  }
0x56: {  	_ =	shalt  }
0x57: {  	_ =	shalt  }
0x58: {  	_ =	shalt  }
0x59: {  	_ =	shalt  }
0x5a: {  	_ =	shalt  }
0x5b: {  	_ =	shalt  }
0x5c: {  	_ =	shalt  }
0x5d: {  	_ =	shalt  }
0x5e: {  	_ =	shalt  }
0x5f: {  	_ =	shalt  }
0x60: {  	_ =	shalt  }
0x61: {  	_ =	shalt  }
0x62: {  	_ =	shalt  }
0x63: {  	_ =	shalt  }
0x64: {  	_ =	shalt  }
0x65: {  	_ =	shalt  }
0x66: {  	_ =	shalt  }
0x67: {  	_ =	shalt  }
0x68: {  	_ =	shalt  }
0x69: {  	_ =	shalt  }
0x6a: {  	_ =	shalt  }
0x6b: {  	_ =	shalt  }
0x6c: {  	_ =	shalt  }
0x6d: {  	_ =	shalt  }
0x6e: {  	_ =	shalt  }
0x6f: {  	_ =	shalt  }
0x70: {  	_ =	shalt  }
0x71: {  	_ =	shalt  }
0x72: {  	_ =	shalt  }
0x73: {  	_ =	shalt  }
0x74: {  	_ =	shalt  }
0x75: {  	_ =	shalt  }
0x76: {  	_ =	shalt  }
0x77: {  	_ =	shalt  }
0x78: {  	_ =	shalt  }
0x79: {  	_ =	shalt  }
0x7a: {  	_ =	shalt  }
0x7b: {  	_ =	shalt  }
0x7c: {  	_ =	shalt  }
0x7d: {  	_ =	shalt  }
0x7e: {  	_ =	shalt  }
0x7f: {  	_ =	shalt  }
0x80: {  	_ =	shalt  }
0x81: {  	_ =	shalt  }
0x82: {  	_ =	shalt  }
0x83: {  	_ =	shalt  }
0x84: {  	_ =	shalt  }
0x85: {  	_ =	shalt  }
0x86: {  	_ =	shalt  }
0x87: {  	_ =	shalt  }
.Lfunc_end0:
.L_simem_size_0:
called_computation_lowered:
.L_overlay_start_0:
0x88: {  	s2 =	sld [smem:$0x3FD9]  }
0x89: {  	s3 =	sld [smem:$0x3FFE];
	_ =	sdelay $0x1  }
0x8a: {  	s1 =	srdreg.scid  }
0x8b: {  	s0 =	sand.u32 $0x1, s1  }
0x8c: {  	s17 =	sshll.u32 s0, $0xA;
	s2 =	sadd.s32 s3, s2  }
0x8d: {  	s2 =	sadd.s32 s2, s17  }
0x8e: {  	[smem:$0x3FC4] =	sst s2  }
0x8f: {  	_ = 	snop  }
0x90: {  	s2 =	sld [smem:$0x3FC9]  }
0x91: {  	s18 =	sld [smem:$0x3FC8]  }
0x92: {  	s4 =	sld [smem:$0x3FC7]  }
0x93: {  	s5 =	sld [smem:$0x3FC6];
	(tm) =	ssettm $0x1  }
0x94: {  	s6 =	sld [smem:$0x3FFB];
	_ =	sdelay $0x3  }
0x95: {  	_ =	strace s6  }
0x96: {  	s6 =	sld [smem:$0x3FFC];
	_ =	sdelay $0x3  }
0x97: {  	_ =	strace s6  }
0x98: {  	s6 =	sld [smem:$0x3FFD];
	_ =	sdelay $0x3  }
0x99: {  	_ =	strace s6  }
0x9a: {  	_ =	strace $0x8FFFFFFF  }
0x9b: {  	s19 =	sld [smem:$0x3FDB];
	_ =	sdelay $0x1  }
0x9c: {  	s7 =	simm.s32 $_scs_section_size  }
0x9d: {  	s8 =	simm.s32 $_size__tile_overlayer_lowered;
	s9 =	simm.s32 $_tile_overlayer_lowered  }
0x9e: {  	s22 =	simm.s32 $0x1BFF;
	s21 =	sshll.u32 s9, $0x1;
	s6 =	sadd.s32 s7, s19  }
0x9f: {  	s10 =	simm.s32 $0x0;
	s20 =	sshll.u32 s8, $0x1;
	s8 =	sadd.s32 s21, s6  }
0xa0: {  	[timem:s10], [sflag:s22] =	dma.local [hbm:s8], s20  }
0xa1: {  	_ =	swait.ge [sflag:s22], s20  }
0xa2: {  	s7 =	ssub.s32 $0x0, s20;
	[sflag:s22] =	ssyncset.done $0x0  }
0xa3: {  	[sflag:s22] =	ssyncadd.s32 s7;
	_ =	sdelay $0x1  }
0xa4: {  	s23 =	simm.s32 $0x1B8B  }
0xa5: {  	_ =	swait.ge [sflag:s23], $0x1  }
0xa6: {  	[sflag:s23] =	ssyncset.done $0x0  }
0xa7: {  	s25 =	simm.s32 $0x1B8E;
	s24 =	sld [smem:$0x3FFE];
	[sflag:s23] =	ssyncadd.s32 $0xFFFFFFFF  }
0xa8: {  	s26 =	simm.s32 $execute0_lowered;
	[smem:$0x3FD2] =	sst s25  }
0xa9: {  	s8 =	sshll.u32 s26, $0x1;
	_ =	strace $0x80000046;
	[dreg:$0x1] =	wrdreg $0xFFFFFFFF  }
0xaa: {  	s28 =	simm.s32 $_size_execute0_lowered;
	s6 =	sadd.s32 s6, s8;
	[dreg:$0x0] =	wrdreg $0x0  }
0xab: {  	s8 =	sshll.u32 s28, $0x1;
	[dreg:$0x2] =	wrdreg s6  }
0xac: {  	[dreg:$0x3] =	wrdreg s8  }
0xad: {  	[dreg:$0x4] =	wrdreg $0xC0  }
0xae: {  	_ =	task [dreg:s10], $0x5FFFF  }
0xaf: {  	[dreg:$0x1] =	wrdreg $0xFFFFFFFF  }
0xb0: {  	[dreg:$0x0] =	wrdreg $0x60  }
0xb1: {  	[dreg:$0x2] =	wrdreg s2  }
0xb2: {  	[dreg:$0x3] =	wrdreg s18  }
0xb3: {  	[dreg:$0x4] =	wrdreg s4  }
0xb4: {  	[dreg:$0x5] =	wrdreg s5  }
0xb5: {  	[dreg:$0x6] =	wrdreg s24  }
0xb6: {  	[dreg:$0x7] =	wrdreg $0x9  }
0xb7: {  	_ =	task.clear_ibuf [dreg:s10], $0x8FFFF;
	_ =	strace $0x90000046  }
0xb8: {  	s29 =	simm.s32 $0x9;
	_ =	strace $0x80000048  }
0xb9: {  	_ =	swait.ge [sflag:s29], $0x1  }
0xba: {  	[sflag:s29] =	ssyncadd.s32 $0xFFFFFFFF  }
0xbb: {  	_ =	strace $0x90000048  }
0xbc: {  	_ =	sfence  }
0xbd: {  	s30 =	sld [smem:$0x0];
	_ =	sdelay $0x2  }
0xbe: {  	s31 =	sshll.u32 s1, $0xD;
	s1 =	sshrl.u32 s1, $0x2  }
0xbf: {  	s3 =	sand.u32 $0x4000, s31;
	s1 =	sadd.s32 s1, s30  }
0xc0: {  	s0 =	sor.u32 s3, s0;
	s1 =	sshll.u32 s1, $0x11  }
0xc1: {  	s0 =	sor.u32 s1, s0  }
0xc2: {  	s0 =	sadd.s32 $0x8F2B, s0  }
0xc3: {  	[sflag:s0] =	ssyncadd.remote.s32 $0x1  }
0xc4: {  	_ =	sfence.sel $0xFFFF  }
0xc5: {  	[dreg:$0x0] =	wrdreg $0xFFFFFFFF;
	(pc) =	sbr.abs _section_cstart, $3  }
0xc6: {  	[dreg:$0x1] =	wrdreg $0xFFFFFFFF  }
0xc7: {  	_ =	task.clear_ibuf [dreg:s10], $0x2FFFF;
	_ =	strace $0x9FFFFFFF  }
0xc8: {  	(tm) =	ssettm $0x7FFFFFFF  }
0xc9: {  	_ =	shalt  }
tec
execute0_lowered:
.L_overlay_start_1:
0x0: {  	(tag) =	ssettag $0x1  }
0x1: {  	s11 =	rddreg [dreg:$0x0]  }
0x2: {  	s12 =	rddreg [dreg:$0x1]  }
0x3: {  	s1 =	rddreg [dreg:$0x2]  }
0x4: {  	s3 =	rddreg [dreg:$0x3]  }
0x5: {  	s13 =	rddreg [dreg:$0x4]  }
0x6: {  	s0 =	rddreg [dreg:$0x5]  }
0x7: {  	s5 =	srdreg.scid;
	s2 =	stileid.u32  }
0x8: {  	s4 =	simm.s32 $0x0;
	s18 =	simm.s32 $0x3;
	s19 =	simm.s32 $0x1  }
0x9: {  	s20 =	simm.s32 $0x4;
	s21 =	simm.s32 $0x2;
	s22 =	simm.s32 $0x8100  }
0xa: {  	s23 =	simm.s32 $0x0;
	s5 =	sand.u32 $0x1, s5;
	s6 =	sshll.u32 s2, $0x1  }
0xb: {  	[smem:$0x7FF] =	sst s4;
	s7 =	ssub.s32 $0x2, s5;
	s14 =	sor.u32 s5, s6  }
0xc: {  	_ =	strace $0x80000047;
	s31 =	sshrl.u32 s7, $0x1;
	s10 =	sshll.u32 s14, $0xC  }
0xd: {  	s14 =	sshll.u32 s14, $0x4;
	s15 =	ssub.s32 s7, s31;
	s5 =	sadd.s32 s11, s10  }
0xe: {  	s8 =	sor.u32 $0x400, s10;
	s6 =	sadd.s32 s12, s10;
	s16 =	sor.u32 $0x800, s10  }
0xf: {  	s17 =	sor.u32 $0xC00, s10;
	s13 =	sadd.s32 s13, s14;
	s7 =	sadd.s32 s11, s8  }
0x10: {  	s8 =	sadd.s32 s12, s8;
	s9 =	sadd.s32 s11, s16;
	s10 =	sadd.s32 s12, s16  }
0x11: {  	s11 =	sadd.s32 s11, s17;
	s12 =	sadd.s32 s12, s17;
	s14 =	smax.u32 s15, $0x1  }
0x12: {  	s15 =	simm.s32 $0x8000;
	s16 =	simm.s32 $0x5;
	s17 =	simm.s32 $0x8080  }
.LBB2_1:
0x13: {  	s24 =	simm.s32 $0x10  }
0x14: {  	s28 =	sadd.s32 $0x0, s5;
	s25 =	simm.s32 $0x100;
	s26 =	simm.s32 $0x0  }
.LBB2_2:
0x15: {  	[tilespmem:s26], [sflag:$0x1] =	stream.linear.gather [hbm4b:s28+s4], $0x80, $0x38;
	[tilespmem:$0x8180] =	vst v63  }
0x16: {  	s28 =	smov.u32 s24;
	s26 =	smov.u32 s25;
	p0 =	sne.s32 s24, $0x3F0  }
.Ltmp0:
0x17: {  	s24 =	sadd.s32 $0x10, s24;
	(pc) =	sbr.rel @p0 .LBB2_2-.Ltmp0, $2  }
0x18: {  	_ =	sdelay $0x2  }
0x19: {  	s25 =	sadd.s32 $0x100, s25;
	s28 =	sadd.s32 s28, s5  }
0x1a: {  	[tilespmem:s26], [sflag:$0x1] =	stream.linear.gather [hbm4b:s28+s4], $0x80, $0x38;
	[tilespmem:$0x8180] =	vst v63  }
0x1b: {  	s24 =	simm.s32 $0x4000  }
0x1c: {  	s25 =	simm.s32 $0x10;
	s28 =	sadd.s32 $0x0, s6;
	s26 =	simm.s32 $0x4100  }
.LBB2_4:
0x1d: {  	[tilespmem:s24], [sflag:$0x3] =	stream.linear.gather [hbm4b:s28+s4], $0x80, $0x38;
	[tilespmem:$0x8180] =	vst v63  }
0x1e: {  	s28 =	smov.u32 s25;
	s24 =	smov.u32 s26;
	p0 =	sne.s32 s25, $0x3F0  }
.Ltmp1:
0x1f: {  	s25 =	sadd.s32 $0x10, s25;
	(pc) =	sbr.rel @p0 .LBB2_4-.Ltmp1, $2  }
0x20: {  	_ =	sdelay $0x2  }
0x21: {  	s26 =	sadd.s32 $0x100, s26;
	s28 =	sadd.s32 s28, s6  }
0x22: {  	[tilespmem:s24], [sflag:$0x3] =	stream.linear.gather [hbm4b:s28+s4], $0x80, $0x38;
	[tilespmem:$0x8180] =	vst v63  }
0x23: {  	s31 =	simm.s32 $0x0  }
0x24: {  	[tilespmem:s15], [sflag:$0x5] =	stream.linear.gather [hbm4b:s1+s31], $0xB, $0x38;
	[tilespmem:$0x8180] =	vst v63  }
0x25: {  	_ =	swait.ge [sflag:s16], $0xB  }
0x26: {  	[sflag:s16] =	ssyncset.done $0x0  }
0x27: {  	[sflag:s16] =	ssyncadd.s32 $0xFFFFFFF5  }
0x28: {  	[tilespmem:s17], [sflag:$0x5] =	stream.linear.gather [hbm4b:s3+s31], $0xA, $0x38;
	[tilespmem:$0x8180] =	vst v63  }
0x29: {  	_ =	swait.ge [sflag:s16], $0xA  }
0x2a: {  	[sflag:s16] =	ssyncset.done $0x0  }
0x2b: {  	s24 =	simm.s32 $0x80;
	[sflag:s16] =	ssyncadd.s32 $0xFFFFFFF6  }
0x2c: {  	s25 =	simm.s32 $0x10;
	s28 =	sadd.s32 $0x0, s7;
	s26 =	simm.s32 $0x180;
	v1 =	vld [tilespmem:$0x8000]  }
.LBB2_6:
0x2d: {  	[tilespmem:s24], [sflag:$0x2] =	stream.linear.gather [hbm4b:s28+s4], $0x80, $0x38;
	[tilespmem:$0x8180] =	vst v63  }
0x2e: {  	s28 =	smov.u32 s25;
	s24 =	smov.u32 s26;
	p0 =	sne.s32 s25, $0x3F0  }
.Ltmp2:
0x2f: {  	s25 =	sadd.s32 $0x10, s25;
	(pc) =	sbr.rel @p0 .LBB2_6-.Ltmp2, $2  }
0x30: {  	_ =	sdelay $0x2  }
0x31: {  	s26 =	sadd.s32 $0x100, s26;
	s28 =	sadd.s32 s28, s7  }
0x32: {  	[tilespmem:s24], [sflag:$0x2] =	stream.linear.gather [hbm4b:s28+s4], $0x80, $0x38;
	[tilespmem:$0x8180] =	vst v63  }
0x33: {  	s24 =	simm.s32 $0x4080  }
0x34: {  	s25 =	simm.s32 $0x10;
	s28 =	sadd.s32 $0x0, s8;
	s26 =	simm.s32 $0x4180  }
.LBB2_8:
0x35: {  	[tilespmem:s24], [sflag:$0x4] =	stream.linear.gather [hbm4b:s28+s4], $0x80, $0x38;
	[tilespmem:$0x8180] =	vst v63  }
0x36: {  	s28 =	smov.u32 s25;
	s24 =	smov.u32 s26;
	p0 =	sne.s32 s25, $0x3F0  }
.Ltmp3:
0x37: {  	s25 =	sadd.s32 $0x10, s25;
	(pc) =	sbr.rel @p0 .LBB2_8-.Ltmp3, $2  }
0x38: {  	_ =	sdelay $0x2  }
0x39: {  	s26 =	sadd.s32 $0x100, s26;
	s28 =	sadd.s32 s28, s8  }
0x3a: {  	v0 =	vbroadcast v1, $0x0;
	v1 =	vbroadcast v1, $0xA;
	_ =	sdelay $0x1  }
0x3b: {  	v1 =	vsub.f32 v1, v0;
	_ =	sdelay $0x1  }
0x3c: {  	(erf) = vrcp.f32 v1;
	_ =	sdelay $0x8  }
0x3d: {  	[tilespmem:s24], [sflag:$0x4] =	stream.linear.gather [hbm4b:s28+s4], $0x80, $0x38;
	v1 =	vpop (erf);
	[tilespmem:$0x8180] =	vst v63  }
0x3e: {  	_ =	swait.ge [sflag:s18], $0x2000  }
0x3f: {  	[sflag:s18] =	ssyncset.done $0x0  }
0x40: {  	[sflag:s18] =	ssyncadd.s32 $0xFFFFE000  }
0x41: {  	s26 =	simm.s32 $0x0;
	_ =	swait.ge [sflag:s19], $0x2000  }
0x42: {  	s25 =	sand.u32 $0x40, s26;
	s24 =	sand.u32 $0x3F00, s26;
	[sflag:s19] =	ssyncset.done $0x0  }
0x43: {  	s24 =	sor.u32 s25, s24;
	[sflag:s19] =	ssyncadd.s32 $0xFFFFE000  }
0x44: {  	v3 =	vld [tilespmem:s24+$0x4030]  }
0x45: {  	v5 =	vld [tilespmem:s24+$0x4000]  }
0x46: {  	v6 =	vld [tilespmem:s24+$0x4010]  }
0x47: {  	v7 =	vld [tilespmem:s24+$0x4020]  }
0x48: {  	v10 =	vld [tilespmem:s24+$0x0]  }
0x49: {  	s28 =	simm.s32 $0x40;
	s26 =	simm.s32 $0x80;
	v11 =	vld [tilespmem:s24+$0x10]  }
0x4a: {  	s25 =	sand.u32 $0x40, s28;
	s26 =	sand.u32 $0x3F00, s26;
	v12 =	vld [tilespmem:s24+$0x20]  }
0x4b: {  	s29 =	sor.u32 s25, s26;
	v1 =	vmul.f32 $1.000000000e+01, v1;
	v14 =	vld [tilespmem:s24+$0x30];
	v2 =	vsub.f32 v3, v0  }
0x4c: {  	v16 =	vld [tilespmem:s29+$0x4000]  }
0x4d: {  	v21 =	vld [tilespmem:s29+$0x4020];
	v2 =	vmul.f32 v2, v1  }
0x4e: {  	v18 =	vld [tilespmem:s29+$0x0];
	v4 =	vsub.f32 v5, v0  }
0x4f: {  	v8 =	vsub.f32 v6, v0;
	v10 =	vsub.f32 v10, v5;
	v2 =	vmax.f32 v2, $0.0e+00  }
0x50: {  	v11 =	vsub.f32 v11, v6;
	v12 =	vsub.f32 v12, v7;
	v2 =	vmin.f32 v2, $9.000000000e+00  }
0x51: {  	v3 =	vsub.f32 v14, v3;
	v4 =	vmul.f32 v4, v1;
	v2 =	vtrunc.f32 v2  }
0x52: {  	v14 =	vsub.f32 v21, v0;
	v9 =	vcvt.f32.s32 v2;
	v2 =	vsub.f32 v7, v0  }
0x53: {  	v18 =	vsub.f32 v18, v16;
	v8 =	vmul.f32 v8, v1;
	v4 =	vmax.f32 v4, $0.0e+00  }
0x54: {  	vm0 =	veq.f32 v10, $0.0e+00;
	v15 =	vmin.f32 v4, $9.000000000e+00;
	v4 =	vld [tilespmem:s29+$0x4030];
	v13 =	vmul.f32 v2, v1  }
0x55: {  	vm1 =	veq.f32 v11, $0.0e+00;
	vm2 =	veq.f32 v12, $0.0e+00;
	v8 =	vmax.f32 v8, $0.0e+00  }
0x56: {  	vm3 =	veq.f32 v3, $0.0e+00;
	v8 =	vmin.f32 v8, $9.000000000e+00;
	v13 =	vmax.f32 v13, $0.0e+00  }
0x57: {  	v19 =	vld [tilespmem:s29+$0x4010];
	v14 =	vmul.f32 v14, v1;
	v5 =	vtrunc.f32 v8;
	v13 =	vmin.f32 v13, $9.000000000e+00  }
0x58: {  	vm0 =	vmmov vm0;
	v9 =	vld.idx.msk [tilespmem:v9+s17+$0x0], $0xffff;
	v6 =	vtrunc.f32 v13;
	v13 =	vcvt.f32.s32 v5  }
0x59: {  	v20 =	vcvt.f32.s32 v6;
	v6 =	vand.u32 $0x7FFFFFFF, v10;
	v10 =	vsub.f32 v4, v0  }
0x5a: {  	v23 =	vld [tilespmem:s29+$0x20];
	v15 =	vtrunc.f32 v15;
	v5 =	vand.u32 $0x7FFFFFFF, v12;
	v12 =	vsub.f32 v16, v0  }
0x5b: {  	v22 =	vld [tilespmem:s29+$0x10];
	vm1 =	vmmov vm1;
	v8 =	vcvt.f32.s32 v15;
	v10 =	vmul.f32 v10, v1  }
0x5c: {  	v7 =	vand.u32 $0x7FFFFFFF, v11;
	v11 =	vand.u32 $0x7FFFFFFF, v3;
	v12 =	vmul.f32 v12, v1  }
0x5d: {  	v9 =	vsub.f32 v11, v9;
	v11 =	vsub.f32 v19, v0;
	v10 =	vmax.f32 v10, $0.0e+00  }
0x5e: {  	v2 =	vimm.f32 $0.0e+00;
	v3 =	vmin.f32 v10, $9.000000000e+00;
	v10 =	vmax.f32 v12, $0.0e+00  }
0x5f: {  	v15 =	vld.idx.msk [tilespmem:v13+s17+$0x0], $0xffff;
	v13 =	vsub.f32 v23, v21;
	v9 =	vmul.f32 v9, v9;
	v11 =	vmul.f32 v11, v1  }
0x60: {  	v12 =	vtrunc.f32 v3;
	v10 =	vmin.f32 v10, $9.000000000e+00;
	v16 =	vld.idx.msk [tilespmem:v20+s17+$0x0], $0xffff;
	v20 =	vsub.f32 v22, v19  }
0x61: {  	v17 =	vcvt.f32.s32 v12;
	v10 =	vtrunc.f32 v10;
	v9 =	vsel vm3, $0x0, v9  }
0x62: {  	v3 =	vadd.f32 v9, v2;
	v9 =	vmax.f32 v11, $0.0e+00;
	v11 =	vmax.f32 v14, $0.0e+00;
	v14 =	vld.idx.msk [tilespmem:v8+s17+$0x0], $0xffff  }
0x63: {  	s30 =	simm.s32 $0x80;
	s25 =	simm.s32 $0x100;
	v10 =	vcvt.f32.s32 v10;
	v9 =	vmin.f32 v9, $9.000000000e+00;
	v8 =	vmin.f32 v11, $9.000000000e+00  }
0x64: {  	s31 =	sand.u32 $0x3F00, s25;
	s24 =	sand.u32 $0x40, s30;
	v11 =	vimm.f32 $0.0e+00;
	v9 =	vtrunc.f32 v9;
	v8 =	vtrunc.f32 v8  }
0x65: {  	s26 =	simm.s32 $0xC0;
	s24 =	sor.u32 s24, s31;
	v19 =	vld [tilespmem:s29+$0x30];
	v12 =	vcvt.f32.s32 v9;
	v8 =	vcvt.f32.s32 v8;
	v9 =	vimm.f32 $0.0e+00  }
.LBB2_10:
0x66: {  	v22 =	vand.u32 $0x7FFFFFFF, v20  }
0x67: {  	p0 =	sne.s32 s26, $0x1FC0;
	v21 =	vld [tilespmem:s24+$0x4030];
	v14 =	vsub.f32 v6, v14;
	v6 =	vand.u32 $0x7FFFFFFF, v18;
	vm3 =	vmmov vm2  }
0x68: {  	v15 =	vsub.f32 v7, v15;
	v16 =	vsub.f32 v5, v16;
	v17 =	vld.idx.msk [tilespmem:v17+s17+$0x0], $0xffff;
	v5 =	vand.u32 $0x7FFFFFFF, v13;
	v7 =	vmovc v22  }
0x69: {  	vm4 =	veq.f32 v18, $0.0e+00;
	vm5 =	veq.f32 v20, $0.0e+00;
	v22 =	vld [tilespmem:s24+$0x4000];
	v14 =	vmul.f32 v14, v14  }
0x6a: {  	vm2 =	veq.f32 v13, $0.0e+00;
	v13 =	vmul.f32 v15, v15;
	v15 =	vmul.f32 v16, v16;
	v20 =	vld [tilespmem:s24+$0x4010]  }
0x6b: {  	v23 =	vld [tilespmem:s24+$0x4020];
	v18 =	vsub.f32 v19, v4;
	v14 =	vsel vm0, $0x0, v14;
	vm0 =	vmmov vm4  }
0x6c: {  	v13 =	vsel vm1, $0x0, v13;
	v15 =	vsel vm3, $0x0, v15;
	v19 =	vld [tilespmem:s24+$0x0];
	v2 =	vadd.f32 v14, v2;
	v4 =	vmovc v21  }
0x6d: {  	v11 =	vadd.f32 v13, v11;
	v21 =	vld [tilespmem:s24+$0x10];
	v14 =	vsub.f32 v4, v0;
	v16 =	vand.u32 $0x7FFFFFFF, v18  }
0x6e: {  	vm1 =	vmmov vm5;
	v13 =	vsub.f32 v22, v0;
	v24 =	vld [tilespmem:s24+$0x20];
	v16 =	vsub.f32 v16, v17  }
0x6f: {  	v9 =	vadd.f32 v15, v9;
	v17 =	vsub.f32 v20, v0;
	v25 =	vmul.f32 v14, v1;
	v14 =	vld.idx.msk [tilespmem:v10+s17+$0x0], $0xffff  }
0x70: {  	v10 =	vmul.f32 v13, v1;
	v13 =	vsub.f32 v23, v0;
	v15 =	vld.idx.msk [tilespmem:v12+s17+$0x0], $0xffff;
	v12 =	vmul.f32 v16, v16  }
0x71: {  	vm3 =	veq.f32 v18, $0.0e+00;
	v17 =	vmul.f32 v17, v1;
	v25 =	vmax.f32 v25, $0.0e+00;
	v16 =	vld.idx.msk [tilespmem:v8+s17+$0x0], $0xffff  }
0x72: {  	v8 =	vmul.f32 v13, v1;
	v13 =	vmin.f32 v25, $9.000000000e+00;
	v12 =	vsel vm3, $0x0, v12  }
0x73: {  	v10 =	vmax.f32 v10, $0.0e+00;
	v13 =	vtrunc.f32 v13;
	v3 =	vadd.f32 v12, v3  }
.Ltmp4:
0x74: {  	v12 =	vmax.f32 v17, $0.0e+00;
	v8 =	vmax.f32 v8, $0.0e+00;
	v17 =	vcvt.f32.s32 v13;
	(pc) =	sbr.rel @p0 .LBB2_10-.Ltmp4, $4  }
0x75: {  	v10 =	vmin.f32 v10, $9.000000000e+00;
	v12 =	vmin.f32 v12, $9.000000000e+00;
	v8 =	vmin.f32 v8, $9.000000000e+00  }
0x76: {  	s25 =	sadd.s32 $0x80, s25;
	v18 =	vsub.f32 v19, v22;
	v10 =	vtrunc.f32 v10;
	v12 =	vtrunc.f32 v12  }
0x77: {  	s28 =	sand.u32 $0x40, s26;
	s29 =	sand.u32 $0x3F00, s25;
	v20 =	vsub.f32 v21, v20;
	v10 =	vcvt.f32.s32 v10;
	v8 =	vtrunc.f32 v8  }
0x78: {  	s26 =	sadd.s32 $0x40, s26;
	v13 =	vsub.f32 v24, v23;
	v12 =	vcvt.f32.s32 v12;
	v8 =	vcvt.f32.s32 v8;
	v19 =	vld [tilespmem:s24+$0x30];
	s24 =	sor.u32 s28, s29  }
0x79: {  	v21 =	vld [tilespmem:s24+$0x4030];
	v22 =	vand.u32 $0x7FFFFFFF, v18  }
0x7a: {  	v23 =	vand.u32 $0x7FFFFFFF, v20;
	v6 =	vsub.f32 v6, v14;
	v7 =	vsub.f32 v7, v15;
	v40 =	vld [tilespmem:s24+$0x4000]  }
0x7b: {  	vm5 =	vmmov vm2;
	v5 =	vsub.f32 v5, v16;
	vm4 =	veq.f32 v18, $0.0e+00;
	v41 =	vld [tilespmem:s24+$0x4010]  }
0x7c: {  	vm3 =	veq.f32 v20, $0.0e+00;
	v42 =	vld [tilespmem:s24+$0x4020];
	v6 =	vmul.f32 v6, v6;
	v7 =	vmul.f32 v7, v7  }
0x7d: {  	vm14 =	veq.f32 v13, $0.0e+00;
	v5 =	vmul.f32 v5, v5;
	v4 =	vsub.f32 v19, v4  }
0x7e: {  	v17 =	vld.idx.msk [tilespmem:v17+s17+$0x0], $0xffff;
	v6 =	vsel vm0, $0x0, v6;
	v7 =	vsel vm1, $0x0, v7;
	v43 =	vsub.f32 v21, v0  }
0x7f: {  	v54 =	vand.u32 $0x7FFFFFFF, v13;
	v2 =	vadd.f32 v6, v2;
	v7 =	vadd.f32 v7, v11  }
0x80: {  	v5 =	vsel vm5, $0x0, v5;
	v44 =	vsub.f32 v40, v0;
	v46 =	vsub.f32 v41, v0  }
0x81: {  	v47 =	vsub.f32 v42, v0;
	v5 =	vadd.f32 v5, v9;
	v45 =	vmul.f32 v43, v1  }
0x82: {  	v6 =	vand.u32 $0x7FFFFFFF, v4;
	v48 =	vmul.f32 v44, v1;
	v50 =	vmul.f32 v46, v1  }
0x83: {  	v52 =	vld [tilespmem:s24+$0x0];
	v6 =	vsub.f32 v6, v17;
	v51 =	vmul.f32 v47, v1;
	v49 =	vmax.f32 v45, $0.0e+00  }
0x84: {  	v53 =	vld [tilespmem:s24+$0x10];
	v9 =	vmax.f32 v48, $0.0e+00;
	v17 =	vmax.f32 v50, $0.0e+00;
	v11 =	vmin.f32 v49, $9.000000000e+00  }
0x85: {  	v10 =	vld.idx.msk [tilespmem:v10+s17+$0x0], $0xffff;
	v18 =	vmax.f32 v51, $0.0e+00;
	v9 =	vmin.f32 v9, $9.000000000e+00;
	v11 =	vtrunc.f32 v11  }
0x86: {  	v12 =	vld.idx.msk [tilespmem:v12+s17+$0x0], $0xffff;
	v17 =	vmin.f32 v17, $9.000000000e+00;
	v9 =	vtrunc.f32 v9;
	v11 =	vcvt.f32.s32 v11  }
0x87: {  	v8 =	vld.idx.msk [tilespmem:v8+s17+$0x0], $0xffff;
	v18 =	vmin.f32 v18, $9.000000000e+00;
	v17 =	vtrunc.f32 v17;
	v9 =	vcvt.f32.s32 v9  }
0x88: {  	v24 =	vld [tilespmem:s24+$0x20];
	vm15 =	vmmov vm4;
	v18 =	vtrunc.f32 v18;
	v17 =	vcvt.f32.s32 v17  }
0x89: {  	vm8 =	vmmov vm3;
	vm7 =	veq.f32 v4, $0.0e+00;
	v4 =	vcvt.f32.s32 v18  }
0x8a: {  	v55 =	vld [tilespmem:s24+$0x30];
	v14 =	vsub.f32 v52, v40;
	v15 =	vsub.f32 v53, v41;
	v6 =	vmul.f32 v6, v6  }
0x8b: {  	vm2 =	vmmov vm14;
	v10 =	vsub.f32 v22, v10;
	v12 =	vsub.f32 v23, v12  }
0x8c: {  	v8 =	vsub.f32 v54, v8;
	v56 =	vand.u32 $0x7FFFFFFF, v14;
	v6 =	vsel vm7, $0x0, v6;
	v11 =	vld.idx.msk [tilespmem:v11+s17+$0x0], $0xffff  }
0x8d: {  	v57 =	vand.u32 $0x7FFFFFFF, v15;
	v3 =	vadd.f32 v6, v3;
	v6 =	vsub.f32 v24, v42;
	v9 =	vld.idx.msk [tilespmem:v9+s17+$0x0], $0xffff  }
0x8e: {  	vm9 =	veq.f32 v14, $0.0e+00;
	v10 =	vmul.f32 v10, v10;
	vm10 =	veq.f32 v15, $0.0e+00;
	v59 =	vld.idx.msk [tilespmem:v17+s17+$0x0], $0xffff  }
0x8f: {  	v58 =	vand.u32 $0x7FFFFFFF, v6;
	vm11 =	veq.f32 v6, $0.0e+00;
	v6 =	vsub.f32 v55, v21;
	v4 =	vld.idx.msk [tilespmem:v4+s17+$0x0], $0xffff  }
0x90: {  	v12 =	vmul.f32 v12, v12;
	v8 =	vmul.f32 v8, v8;
	vm12 =	vmmov vm9  }
0x91: {  	vm13 =	vmmov vm10;
	v10 =	vsel vm15, $0x0, v10;
	v60 =	vand.u32 $0x7FFFFFFF, v6  }
0x92: {  	v2 =	vadd.f32 v10, v2;
	v12 =	vsel vm8, $0x0, v12;
	v10 =	vsub.f32 v60, v11  }
0x93: {  	v8 =	vsel vm2, $0x0, v8;
	v7 =	vadd.f32 v12, v7;
	v9 =	vsub.f32 v56, v9  }
0x94: {  	v61 =	vsub.f32 v57, v59;
	v4 =	vsub.f32 v58, v4;
	v10 =	vmul.f32 v10, v10  }
0x95: {  	v8 =	vadd.f32 v8, v5;
	vm14 =	veq.f32 v6, $0.0e+00;
	v6 =	vmul.f32 v9, v9  }
0x96: {  	v62 =	vmul.f32 v61, v61;
	v63 =	vmul.f32 v4, v4;
	v5 =	vsel vm14, $0x0, v10  }
0x97: {  	vm15 =	vmmov vm11;
	v5 =	vadd.f32 v5, v3;
	v3 =	vsel vm12, $0x0, v6  }
0x98: {  	s24 =	simm.s32 $0x0;
	v6 =	vsel vm15, $0x0, v63;
	v4 =	vadd.f32 v3, v2;
	v2 =	vsel vm13, $0x0, v62  }
0x99: {  	s25 =	simm.s32 $0x10;
	s28 =	sadd.s32 $0x0, s9;
	s26 =	simm.s32 $0x100;
	v3 =	vadd.f32 v2, v7;
	v2 =	vadd.f32 v6, v8  }
.LBB2_12:
0x9a: {  	[tilespmem:s24], [sflag:$0x1] =	stream.linear.gather [hbm4b:s28+s4], $0x80, $0x38;
	[tilespmem:$0x8180] =	vst v63  }
0x9b: {  	s28 =	smov.u32 s25;
	s24 =	smov.u32 s26;
	p0 =	sne.s32 s25, $0x3F0  }
.Ltmp5:
0x9c: {  	s25 =	sadd.s32 $0x10, s25;
	(pc) =	sbr.rel @p0 .LBB2_12-.Ltmp5, $2  }
0x9d: {  	_ =	sdelay $0x2  }
0x9e: {  	s26 =	sadd.s32 $0x100, s26;
	s28 =	sadd.s32 s28, s9  }
0x9f: {  	[tilespmem:s24], [sflag:$0x1] =	stream.linear.gather [hbm4b:s28+s4], $0x80, $0x38;
	[tilespmem:$0x8180] =	vst v63  }
0xa0: {  	s24 =	simm.s32 $0x4000  }
0xa1: {  	s25 =	simm.s32 $0x10;
	s28 =	sadd.s32 $0x0, s10;
	s26 =	simm.s32 $0x4100  }
.LBB2_14:
0xa2: {  	[tilespmem:s24], [sflag:$0x3] =	stream.linear.gather [hbm4b:s28+s4], $0x80, $0x38;
	[tilespmem:$0x8180] =	vst v63  }
0xa3: {  	s28 =	smov.u32 s25;
	s24 =	smov.u32 s26;
	p0 =	sne.s32 s25, $0x3F0  }
.Ltmp6:
0xa4: {  	s25 =	sadd.s32 $0x10, s25;
	(pc) =	sbr.rel @p0 .LBB2_14-.Ltmp6, $2  }
0xa5: {  	_ =	sdelay $0x2  }
0xa6: {  	s26 =	sadd.s32 $0x100, s26;
	s28 =	sadd.s32 s28, s10  }
0xa7: {  	[tilespmem:s24], [sflag:$0x3] =	stream.linear.gather [hbm4b:s28+s4], $0x80, $0x38;
	[tilespmem:$0x8180] =	vst v63  }
0xa8: {  	_ =	swait.ge [sflag:s20], $0x2000  }
0xa9: {  	p0 =	por $0x0, $0x0;
	s24 =	simm.s32 $0x1;
	[sflag:s20] =	ssyncset.done $0x0  }
0xaa: {  	s24 =	simm.s32 @!p0 $0x0;
	[sflag:s20] =	ssyncadd.s32 $0xFFFFE000  }
0xab: {  	s24 =	sshll.u32 s24, $0x6;
	_ =	swait.ge [sflag:s21], $0x2000  }
0xac: {  	s24 =	sadd.s32 $0x0, s24;
	[sflag:s21] =	ssyncset.done $0x0  }
0xad: {  	s25 =	sor.u32 $0xB0, s24;
	[sflag:s21] =	ssyncadd.s32 $0xFFFFE000  }
0xae: {  	v8 =	vld [tilespmem:s25+$0x4000];
	_ =	sdelay $0x3  }
0xaf: {  	s26 =	sor.u32 $0x80, s24  }
0xb0: {  	s28 =	sor.u32 $0x90, s24;
	v7 =	vld [tilespmem:s26+$0x4000];
	v6 =	vsub.f32 v8, v0  }
0xb1: {  	s24 =	sor.u32 $0xA0, s24;
	v9 =	vld [tilespmem:s28+$0x4000]  }
0xb2: {  	v10 =	vld [tilespmem:s24+$0x4000];
	v6 =	vmul.f32 v6, v1  }
0xb3: {  	v15 =	vld [tilespmem:s26+$0x0]  }
0xb4: {  	v6 =	vmax.f32 v6, $0.0e+00  }
0xb5: {  	s29 =	simm.s32 $0x1;
	p0 =	por !p0, !p0;
	v6 =	vmin.f32 v6, $9.000000000e+00  }
0xb6: {  	s29 =	simm.s32 @!p0 $0x0;
	v11 =	vsub.f32 v7, v0;
	v6 =	vtrunc.f32 v6  }
0xb7: {  	s30 =	sshll.u32 s29, $0x6;
	v16 =	vld [tilespmem:s24+$0x0];
	v12 =	vsub.f32 v9, v0;
	v14 =	vcvt.f32.s32 v6  }
0xb8: {  	s26 =	sadd.s32 $0x80, s30;
	v17 =	vld [tilespmem:s25+$0x0];
	v13 =	vsub.f32 v10, v0;
	v15 =	vsub.f32 v15, v7;
	v6 =	vmul.f32 v11, v1  }
0xb9: {  	s31 =	sor.u32 $0x80, s26;
	v12 =	vmul.f32 v12, v1;
	v11 =	vld [tilespmem:s28+$0x0]  }
0xba: {  	v20 =	vld [tilespmem:s31+$0x4000];
	v13 =	vmul.f32 v13, v1;
	vm0 =	veq.f32 v15, $0.0e+00;
	v6 =	vmax.f32 v6, $0.0e+00  }
0xbb: {  	s24 =	sor.u32 $0xB0, s26;
	vm0 =	vmmov vm0;
	v12 =	vmax.f32 v12, $0.0e+00;
	v18 =	vmin.f32 v6, $9.000000000e+00  }
0xbc: {  	v13 =	vmax.f32 v13, $0.0e+00;
	v12 =	vmin.f32 v12, $9.000000000e+00;
	v6 =	vld [tilespmem:s24+$0x4000];
	v18 =	vtrunc.f32 v18  }
0xbd: {  	v13 =	vmin.f32 v13, $9.000000000e+00;
	v7 =	vtrunc.f32 v12;
	s28 =	sor.u32 $0x90, s26;
	v12 =	vld.idx.msk [tilespmem:v14+s17+$0x0], $0xffff;
	v14 =	vcvt.f32.s32 v18  }
0xbe: {  	s26 =	sor.u32 $0xA0, s26;
	v18 =	vsub.f32 v11, v9;
	v9 =	vtrunc.f32 v13;
	v13 =	vsub.f32 v16, v10;
	v11 =	vld [tilespmem:s28+$0x4000]  }
0xbf: {  	v19 =	vcvt.f32.s32 v7;
	v10 =	vld [tilespmem:s26+$0x4000];
	v16 =	vsub.f32 v17, v8;
	v17 =	vsub.f32 v20, v0  }
0xc0: {  	v21 =	vcvt.f32.s32 v9;
	v9 =	vand.u32 $0x7FFFFFFF, v15;
	v7 =	vand.u32 $0x7FFFFFFF, v18  }
0xc1: {  	v8 =	vand.u32 $0x7FFFFFFF, v13;
	vm2 =	veq.f32 v13, $0.0e+00;
	v13 =	vsub.f32 v6, v0  }
0xc2: {  	vm1 =	veq.f32 v18, $0.0e+00;
	v15 =	vand.u32 $0x7FFFFFFF, v16;
	v17 =	vmul.f32 v17, v1  }
0xc3: {  	v13 =	vmul.f32 v13, v1;
	v12 =	vsub.f32 v15, v12;
	v15 =	vsub.f32 v11, v0  }
0xc4: {  	vm3 =	veq.f32 v16, $0.0e+00;
	vm1 =	vmmov vm1;
	v18 =	vsub.f32 v10, v0  }
0xc5: {  	v22 =	vld [tilespmem:s31+$0x0];
	v23 =	vmax.f32 v13, $0.0e+00;
	v12 =	vmul.f32 v12, v12;
	v15 =	vmul.f32 v15, v1  }
0xc6: {  	v24 =	vmax.f32 v17, $0.0e+00;
	v13 =	vld [tilespmem:s28+$0x0];
	v16 =	vmul.f32 v18, v1;
	v18 =	vmin.f32 v23, $9.000000000e+00  }
0xc7: {  	v14 =	vld.idx.msk [tilespmem:v14+s17+$0x0], $0xffff;
	v17 =	vtrunc.f32 v18;
	v23 =	vsel vm3, $0x0, v12;
	v18 =	vmax.f32 v15, $0.0e+00  }
0xc8: {  	p0 =	por !p0, !p0;
	s25 =	simm.s32 $0x1;
	v12 =	vld [tilespmem:s26+$0x0];
	v16 =	vmax.f32 v16, $0.0e+00;
	v17 =	vcvt.f32.s32 v17;
	v5 =	vadd.f32 v23, v5  }
0xc9: {  	s25 =	simm.s32 @!p0 $0x0;
	v15 =	vld.idx.msk [tilespmem:v19+s17+$0x0], $0xffff;
	v23 =	vmin.f32 v24, $9.000000000e+00;
	v63 =	vmin.f32 v18, $9.000000000e+00;
	v19 =	vmin.f32 v16, $9.000000000e+00  }
0xca: {  	s28 =	sshll.u32 s25, $0x6;
	s25 =	simm.s32 $0xC0;
	s26 =	simm.s32 $0x100;
	v16 =	vld.idx.msk [tilespmem:v21+s17+$0x0], $0xffff;
	v18 =	vsub.f32 v22, v20;
	v21 =	vtrunc.f32 v23;
	v20 =	vtrunc.f32 v63  }
.LBB2_16:
0xcb: {  	v21 =	vcvt.f32.s32 v21  }
0xcc: {  	p1 =	sne.s32 s25, $0x1FC0;
	s28 =	sadd.s32 s28, s26;
	v11 =	vsub.f32 v13, v11;
	v13 =	vtrunc.f32 v19;
	vm3 =	vmmov vm2  }
0xcd: {  	v19 =	vcvt.f32.s32 v20;
	v10 =	vsub.f32 v12, v10;
	s29 =	sor.u32 $0x80, s28;
	s30 =	sor.u32 $0x90, s28;
	v20 =	vcvt.f32.s32 v13;
	v12 =	vld [tilespmem:s24+$0x0];
	s24 =	sor.u32 $0xB0, s28  }
0xce: {  	v14 =	vsub.f32 v9, v14;
	s28 =	sor.u32 $0xA0, s28;
	v9 =	vand.u32 $0x7FFFFFFF, v18;
	v13 =	vld [tilespmem:s24+$0x4000];
	v22 =	vand.u32 $0x7FFFFFFF, v11  }
0xcf: {  	v15 =	vsub.f32 v7, v15;
	v16 =	vsub.f32 v8, v16;
	v8 =	vand.u32 $0x7FFFFFFF, v10;
	v17 =	vld.idx.msk [tilespmem:v17+s17+$0x0], $0xffff;
	v7 =	vmovc v22  }
0xd0: {  	vm4 =	veq.f32 v18, $0.0e+00;
	vm5 =	veq.f32 v11, $0.0e+00;
	v14 =	vmul.f32 v14, v14;
	v22 =	vld [tilespmem:s29+$0x4000]  }
0xd1: {  	vm2 =	veq.f32 v10, $0.0e+00;
	v15 =	vmul.f32 v15, v15;
	v16 =	vmul.f32 v16, v16;
	v11 =	vld [tilespmem:s30+$0x4000]  }
0xd2: {  	v14 =	vsel vm0, $0x0, v14;
	vm0 =	vmmov vm4;
	v10 =	vld [tilespmem:s28+$0x4000];
	v18 =	vsub.f32 v12, v6  }
0xd3: {  	v4 =	vadd.f32 v14, v4;
	v12 =	vsel vm1, $0x0, v15;
	v15 =	vsel vm3, $0x0, v16;
	v23 =	vld [tilespmem:s29+$0x0];
	v6 =	vmovc v13  }
0xd4: {  	v3 =	vadd.f32 v12, v3;
	v13 =	vld [tilespmem:s30+$0x0];
	v14 =	vsub.f32 v6, v0;
	v16 =	vand.u32 $0x7FFFFFFF, v18  }
0xd5: {  	vm1 =	vmmov vm5;
	v24 =	vsub.f32 v22, v0;
	v12 =	vld [tilespmem:s28+$0x0];
	v16 =	vsub.f32 v16, v17  }
0xd6: {  	v2 =	vadd.f32 v15, v2;
	v17 =	vsub.f32 v11, v0;
	v25 =	vmul.f32 v14, v1;
	v14 =	vld.idx.msk [tilespmem:v21+s17+$0x0], $0xffff  }
0xd7: {  	v21 =	vmul.f32 v24, v1;
	v24 =	vsub.f32 v10, v0;
	v15 =	vld.idx.msk [tilespmem:v19+s17+$0x0], $0xffff;
	v19 =	vmul.f32 v16, v16  }
0xd8: {  	vm3 =	veq.f32 v18, $0.0e+00;
	v17 =	vmul.f32 v17, v1;
	v25 =	vmax.f32 v25, $0.0e+00;
	v16 =	vld.idx.msk [tilespmem:v20+s17+$0x0], $0xffff  }
.Ltmp7:
0xd9: {  	v18 =	vmul.f32 v24, v1;
	v20 =	vmin.f32 v25, $9.000000000e+00;
	v19 =	vsel vm3, $0x0, v19;
	(pc) =	sbr.rel @p1 .LBB2_16-.Ltmp7, $4  }
0xda: {  	v21 =	vmax.f32 v21, $0.0e+00;
	v20 =	vtrunc.f32 v20;
	v5 =	vadd.f32 v19, v5  }
0xdb: {  	p0 =	por !p0, !p0;
	s28 =	simm.s32 $0x1;
	v19 =	vmax.f32 v17, $0.0e+00;
	v18 =	vmax.f32 v18, $0.0e+00;
	v17 =	vcvt.f32.s32 v20  }
0xdc: {  	s28 =	simm.s32 @!p0 $0x0;
	v20 =	vmin.f32 v21, $9.000000000e+00;
	v24 =	vmin.f32 v19, $9.000000000e+00;
	v19 =	vmin.f32 v18, $9.000000000e+00  }
0xdd: {  	s25 =	sadd.s32 $0x40, s25;
	s26 =	sadd.s32 $0x80, s26;
	s28 =	sshll.u32 s28, $0x6;
	v21 =	vtrunc.f32 v20;
	v18 =	vsub.f32 v23, v22;
	v20 =	vtrunc.f32 v24  }
0xde: {  	_ =	sdelay $0x2  }
0xdf: {  	s26 =	sadd.s32 s28, s26;
	v21 =	vcvt.f32.s32 v21;
	v22 =	vld [tilespmem:s24+$0x0]  }
0xe0: {  	v11 =	vsub.f32 v13, v11;
	v37 =	vtrunc.f32 v19;
	v9 =	vsub.f32 v9, v14;
	v17 =	vld.idx.msk [tilespmem:v17+s17+$0x0], $0xffff;
	s25 =	sor.u32 $0xB0, s26  }
0xe1: {  	vm2 =	vmmov vm2;
	v39 =	vcvt.f32.s32 v20;
	v7 =	vsub.f32 v7, v15;
	s31 =	sor.u32 $0x80, s26;
	v38 =	vld [tilespmem:s25+$0x4000]  }
0xe2: {  	v8 =	vsub.f32 v8, v16;
	v10 =	vsub.f32 v12, v10;
	v13 =	vcvt.f32.s32 v37;
	s28 =	sor.u32 $0x90, s26;
	v40 =	vld [tilespmem:s31+$0x4000]  }
0xe3: {  	s26 =	sor.u32 $0xA0, s26;
	v41 =	vand.u32 $0x7FFFFFFF, v18;
	v9 =	vmul.f32 v9, v9;
	v43 =	vld [tilespmem:s28+$0x4000];
	v7 =	vmul.f32 v7, v7  }
0xe4: {  	vm7 =	veq.f32 v18, $0.0e+00;
	v42 =	vand.u32 $0x7FFFFFFF, v11;
	v8 =	vmul.f32 v8, v8;
	v23 =	vld [tilespmem:s26+$0x4000]  }
0xe5: {  	v9 =	vsel vm0, $0x0, v9;
	v7 =	vsel vm1, $0x0, v7;
	v6 =	vsub.f32 v22, v6  }
0xe6: {  	v8 =	vsel vm2, $0x0, v8;
	v4 =	vadd.f32 v9, v4;
	v3 =	vadd.f32 v7, v3  }
0xe7: {  	vm8 =	veq.f32 v11, $0.0e+00;
	v2 =	vadd.f32 v8, v2;
	v44 =	vsub.f32 v38, v0  }
0xe8: {  	v45 =	vand.u32 $0x7FFFFFFF, v6;
	v7 =	vsub.f32 v40, v0;
	v46 =	vsub.f32 v43, v0  }
0xe9: {  	v47 =	vsub.f32 v23, v0;
	v17 =	vsub.f32 v45, v17;
	v9 =	vmul.f32 v44, v1  }
0xea: {  	vm9 =	veq.f32 v6, $0.0e+00;
	v7 =	vmul.f32 v7, v1;
	v49 =	vmul.f32 v46, v1  }
0xeb: {  	v8 =	vmul.f32 v47, v1;
	v48 =	vmul.f32 v17, v17;
	v9 =	vmax.f32 v9, $0.0e+00  }
0xec: {  	v50 =	vld [tilespmem:s31+$0x0];
	v6 =	vmax.f32 v7, $0.0e+00;
	v17 =	vmax.f32 v49, $0.0e+00;
	v9 =	vmin.f32 v9, $9.000000000e+00  }
0xed: {  	v52 =	vld [tilespmem:s26+$0x0];
	v8 =	vmax.f32 v8, $0.0e+00;
	v6 =	vmin.f32 v6, $9.000000000e+00;
	v7 =	vtrunc.f32 v9  }
0xee: {  	v55 =	vld [tilespmem:s25+$0x0];
	v17 =	vmin.f32 v17, $9.000000000e+00;
	v6 =	vtrunc.f32 v6;
	v7 =	vcvt.f32.s32 v7  }
0xef: {  	v51 =	vld [tilespmem:s28+$0x0];
	v8 =	vmin.f32 v8, $9.000000000e+00;
	v17 =	vtrunc.f32 v17;
	v6 =	vcvt.f32.s32 v6  }
0xf0: {  	v24 =	vand.u32 $0x7FFFFFFF, v10;
	v21 =	vld.idx.msk [tilespmem:v21+s17+$0x0], $0xffff;
	v8 =	vtrunc.f32 v8;
	v17 =	vcvt.f32.s32 v17  }
0xf1: {  	vm3 =	veq.f32 v10, $0.0e+00;
	v14 =	vld.idx.msk [tilespmem:v39+s17+$0x0], $0xffff;
	v54 =	vsub.f32 v50, v40;
	v8 =	vcvt.f32.s32 v8  }
0xf2: {  	vm10 =	vmmov vm3;
	vm0 =	vmmov vm7;
	v53 =	vld.idx.msk [tilespmem:v13+s17+$0x0], $0xffff;
	v56 =	vsub.f32 v52, v23  }
0xf3: {  	vm1 =	vmmov vm8;
	v60 =	vsub.f32 v55, v38;
	v18 =	vand.u32 $0x7FFFFFFF, v54  }
0xf4: {  	v57 =	vand.u32 $0x7FFFFFFF, v56;
	vm11 =	veq.f32 v54, $0.0e+00;
	vm5 =	veq.f32 v56, $0.0e+00;
	v7 =	vld.idx.msk [tilespmem:v7+s17+$0x0], $0xffff  }
0xf5: {  	v62 =	vand.u32 $0x7FFFFFFF, v60;
	vm14 =	veq.f32 v60, $0.0e+00;
	vm12 =	vmmov vm11;
	v6 =	vld.idx.msk [tilespmem:v6+s17+$0x0], $0xffff  }
0xf6: {  	vm15 =	vmmov vm5;
	v12 =	vsub.f32 v41, v21;
	v14 =	vsub.f32 v42, v14;
	v59 =	vld.idx.msk [tilespmem:v17+s17+$0x0], $0xffff  }
0xf7: {  	v11 =	vsel vm9, $0x0, v48;
	v10 =	vsub.f32 v24, v53;
	v9 =	vsub.f32 v51, v43;
	v8 =	vld.idx.msk [tilespmem:v8+s17+$0x0], $0xffff  }
0xf8: {  	v5 =	vadd.f32 v11, v5;
	v58 =	vmul.f32 v12, v12;
	v61 =	vmul.f32 v14, v14  }
0xf9: {  	v10 =	vmul.f32 v10, v10;
	v20 =	vand.u32 $0x7FFFFFFF, v9;
	vm4 =	veq.f32 v9, $0.0e+00  }
0xfa: {  	v11 =	vsel vm0, $0x0, v58;
	v13 =	vsel vm1, $0x0, v61;
	v7 =	vsub.f32 v62, v7  }
0xfb: {  	v4 =	vadd.f32 v11, v4;
	v10 =	vsel vm10, $0x0, v10;
	v6 =	vsub.f32 v18, v6  }
0xfc: {  	v63 =	vsub.f32 v20, v59;
	v8 =	vsub.f32 v57, v8;
	v7 =	vmul.f32 v7, v7  }
0xfd: {  	v3 =	vadd.f32 v13, v3;
	v10 =	vadd.f32 v10, v2;
	v2 =	vmul.f32 v6, v6  }
0xfe: {  	v8 =	vmul.f32 v8, v8;
	v6 =	vsel vm14, $0x0, v7;
	v7 =	vmul.f32 v63, v63  }
0xff: {  	vm13 =	vmmov vm4;
	v2 =	vsel vm12, $0x0, v2;
	v5 =	vadd.f32 v6, v5  }
0x100: {  	s24 =	simm.s32 $0x80;
	v4 =	vadd.f32 v2, v4;
	v6 =	vsel vm15, $0x0, v8;
	v2 =	vsel vm13, $0x0, v7  }
0x101: {  	s25 =	simm.s32 $0x10;
	s28 =	sadd.s32 $0x0, s11;
	s26 =	simm.s32 $0x180;
	v2 =	vadd.f32 v2, v3;
	v3 =	vadd.f32 v6, v10  }
.LBB2_18:
0x102: {  	[tilespmem:s24], [sflag:$0x2] =	stream.linear.gather [hbm4b:s28+s4], $0x80, $0x38;
	[tilespmem:$0x8180] =	vst v63  }
0x103: {  	s28 =	smov.u32 s25;
	s24 =	smov.u32 s26;
	p0 =	sne.s32 s25, $0x3F0  }
.Ltmp8:
0x104: {  	s25 =	sadd.s32 $0x10, s25;
	(pc) =	sbr.rel @p0 .LBB2_18-.Ltmp8, $2  }
0x105: {  	_ =	sdelay $0x2  }
0x106: {  	s26 =	sadd.s32 $0x100, s26;
	s28 =	sadd.s32 s28, s11  }
0x107: {  	[tilespmem:s24], [sflag:$0x2] =	stream.linear.gather [hbm4b:s28+s4], $0x80, $0x38;
	[tilespmem:$0x8180] =	vst v63  }
0x108: {  	s24 =	simm.s32 $0x4080  }
0x109: {  	s25 =	simm.s32 $0x10;
	s28 =	sadd.s32 $0x0, s12;
	s26 =	simm.s32 $0x4180  }
.LBB2_20:
0x10a: {  	[tilespmem:s24], [sflag:$0x4] =	stream.linear.gather [hbm4b:s28+s4], $0x80, $0x38;
	[tilespmem:$0x8180] =	vst v63  }
0x10b: {  	s28 =	smov.u32 s25;
	s24 =	smov.u32 s26;
	p0 =	sne.s32 s25, $0x3F0  }
.Ltmp9:
0x10c: {  	s25 =	sadd.s32 $0x10, s25;
	(pc) =	sbr.rel @p0 .LBB2_20-.Ltmp9, $2  }
0x10d: {  	_ =	sdelay $0x2  }
0x10e: {  	s26 =	sadd.s32 $0x100, s26;
	s28 =	sadd.s32 s28, s12  }
0x10f: {  	[tilespmem:s24], [sflag:$0x4] =	stream.linear.gather [hbm4b:s28+s4], $0x80, $0x38;
	[tilespmem:$0x8180] =	vst v63  }
0x110: {  	_ =	swait.ge [sflag:s18], $0x2000  }
0x111: {  	[sflag:s18] =	ssyncset.done $0x0  }
0x112: {  	[sflag:s18] =	ssyncadd.s32 $0xFFFFE000  }
0x113: {  	s26 =	simm.s32 $0x0;
	_ =	swait.ge [sflag:s19], $0x2000  }
0x114: {  	s25 =	sand.u32 $0x40, s26;
	s24 =	sand.u32 $0x3F00, s26;
	[sflag:s19] =	ssyncset.done $0x0  }
0x115: {  	s24 =	sor.u32 s25, s24;
	[sflag:s19] =	ssyncadd.s32 $0xFFFFE000  }
0x116: {  	v7 =	vld [tilespmem:s24+$0x4030];
	_ =	sdelay $0x4  }
0x117: {  	v8 =	vld [tilespmem:s24+$0x4000];
	v6 =	vsub.f32 v7, v0  }
0x118: {  	v10 =	vld [tilespmem:s24+$0x4020]  }
0x119: {  	v9 =	vld [tilespmem:s24+$0x4010];
	v6 =	vmul.f32 v6, v1  }
0x11a: {  	s28 =	simm.s32 $0x40;
	s26 =	simm.s32 $0x80;
	v15 =	vld [tilespmem:s24+$0x0]  }
0x11b: {  	s25 =	sand.u32 $0x40, s28;
	s26 =	sand.u32 $0x3F00, s26;
	v16 =	vld [tilespmem:s24+$0x20];
	v6 =	vmax.f32 v6, $0.0e+00  }
0x11c: {  	s29 =	sor.u32 s25, s26;
	v17 =	vld [tilespmem:s24+$0x30];
	v11 =	vsub.f32 v8, v0;
	v6 =	vmin.f32 v6, $9.000000000e+00  }
0x11d: {  	v23 =	vld [tilespmem:s29+$0x4020];
	v13 =	vsub.f32 v10, v0;
	v6 =	vtrunc.f32 v6  }
0x11e: {  	v12 =	vsub.f32 v9, v0;
	v14 =	vcvt.f32.s32 v6;
	v6 =	vmul.f32 v11, v1;
	v11 =	vld [tilespmem:s24+$0x10]  }
0x11f: {  	v15 =	vsub.f32 v15, v8;
	v13 =	vmul.f32 v13, v1  }
0x120: {  	v10 =	vsub.f32 v16, v10;
	v12 =	vmul.f32 v12, v1;
	v6 =	vmax.f32 v6, $0.0e+00  }
0x121: {  	v16 =	vsub.f32 v17, v7;
	v13 =	vmax.f32 v13, $0.0e+00;
	v18 =	vmin.f32 v6, $9.000000000e+00;
	v6 =	vld [tilespmem:s29+$0x4030]  }
0x122: {  	v17 =	vsub.f32 v23, v0;
	v12 =	vmax.f32 v12, $0.0e+00;
	v13 =	vmin.f32 v13, $9.000000000e+00  }
0x123: {  	v12 =	vmin.f32 v12, $9.000000000e+00;
	v11 =	vsub.f32 v11, v9;
	v9 =	vtrunc.f32 v13;
	v13 =	vld [tilespmem:s29+$0x4000]  }
0x124: {  	v7 =	vand.u32 $0x7FFFFFFF, v10;
	vm0 =	veq.f32 v15, $0.0e+00;
	v8 =	vtrunc.f32 v12;
	v12 =	vld.idx.msk [tilespmem:v14+s17+$0x0], $0xffff  }
0x125: {  	v22 =	vld [tilespmem:s29+$0x4010];
	vm2 =	veq.f32 v10, $0.0e+00;
	vm3 =	veq.f32 v16, $0.0e+00;
	vm0 =	vmmov vm0  }
0x126: {  	v20 =	vcvt.f32.s32 v8;
	v18 =	vtrunc.f32 v18;
	v10 =	vsub.f32 v6, v0  }
0x127: {  	v14 =	vcvt.f32.s32 v18;
	v21 =	vcvt.f32.s32 v9;
	v8 =	vand.u32 $0x7FFFFFFF, v11  }
0x128: {  	vm1 =	veq.f32 v11, $0.0e+00;
	v11 =	vand.u32 $0x7FFFFFFF, v16;
	v10 =	vmul.f32 v10, v1  }
0x129: {  	v9 =	vand.u32 $0x7FFFFFFF, v15;
	v15 =	vsub.f32 v13, v0;
	v11 =	vsub.f32 v11, v12  }
0x12a: {  	v24 =	vld [tilespmem:s29+$0x0];
	v16 =	vmul.f32 v17, v1;
	v12 =	vsub.f32 v22, v0;
	v10 =	vmax.f32 v10, $0.0e+00  }
0x12b: {  	v15 =	vmul.f32 v15, v1;
	v11 =	vmul.f32 v11, v11;
	v10 =	vmin.f32 v10, $9.000000000e+00  }
0x12c: {  	v25 =	vld [tilespmem:s29+$0x10];
	vm1 =	vmmov vm1;
	v12 =	vmul.f32 v12, v1;
	v10 =	vtrunc.f32 v10  }
0x12d: {  	v17 =	vld [tilespmem:s29+$0x20];
	v15 =	vmax.f32 v15, $0.0e+00;
	v11 =	vsel vm3, $0x0, v11;
	v19 =	vcvt.f32.s32 v10  }
0x12e: {  	v18 =	vld.idx.msk [tilespmem:v14+s17+$0x0], $0xffff;
	v10 =	vmin.f32 v15, $9.000000000e+00;
	v5 =	vadd.f32 v11, v5;
	v11 =	vmax.f32 v12, $0.0e+00  }
0x12f: {  	v12 =	vmax.f32 v16, $0.0e+00;
	v15 =	vtrunc.f32 v10;
	v10 =	vsub.f32 v24, v13;
	v16 =	vld.idx.msk [tilespmem:v21+s17+$0x0], $0xffff  }
0x130: {  	s30 =	simm.s32 $0x80;
	s25 =	simm.s32 $0x100;
	v11 =	vmin.f32 v11, $9.000000000e+00;
	v14 =	vmin.f32 v12, $9.000000000e+00;
	v12 =	vld.idx.msk [tilespmem:v20+s17+$0x0], $0xffff;
	v13 =	vcvt.f32.s32 v15  }
0x131: {  	s31 =	sand.u32 $0x3F00, s25;
	s24 =	sand.u32 $0x40, s30;
	v15 =	vsub.f32 v25, v22;
	v11 =	vtrunc.f32 v11;
	v20 =	vtrunc.f32 v14  }
0x132: {  	s26 =	simm.s32 $0xC0;
	s24 =	sor.u32 s24, s31;
	v17 =	vsub.f32 v17, v23;
	v14 =	vcvt.f32.s32 v11;
	v11 =	vcvt.f32.s32 v20;
	v20 =	vld [tilespmem:s29+$0x30]  }
.LBB2_22:
0x133: {  	v22 =	vand.u32 $0x7FFFFFFF, v15  }
0x134: {  	p0 =	sne.s32 s26, $0x1FC0;
	v21 =	vld [tilespmem:s24+$0x4030];
	v18 =	vsub.f32 v9, v18;
	v9 =	vand.u32 $0x7FFFFFFF, v10;
	vm3 =	vmmov vm2  }
0x135: {  	v12 =	vsub.f32 v8, v12;
	v16 =	vsub.f32 v7, v16;
	v19 =	vld.idx.msk [tilespmem:v19+s17+$0x0], $0xffff;
	v7 =	vand.u32 $0x7FFFFFFF, v17;
	v8 =	vmovc v22  }
0x136: {  	vm4 =	veq.f32 v10, $0.0e+00;
	vm5 =	veq.f32 v15, $0.0e+00;
	v22 =	vld [tilespmem:s24+$0x4000];
	v10 =	vmul.f32 v18, v18  }
0x137: {  	vm2 =	veq.f32 v17, $0.0e+00;
	v12 =	vmul.f32 v12, v12;
	v16 =	vmul.f32 v16, v16;
	v15 =	vld [tilespmem:s24+$0x4010]  }
0x138: {  	v17 =	vld [tilespmem:s24+$0x4020];
	v20 =	vsub.f32 v20, v6;
	v18 =	vsel vm0, $0x0, v10;
	vm0 =	vmmov vm4  }
0x139: {  	v12 =	vsel vm1, $0x0, v12;
	v16 =	vsel vm3, $0x0, v16;
	v10 =	vld [tilespmem:s24+$0x0];
	v4 =	vadd.f32 v18, v4;
	v6 =	vmovc v21  }
0x13a: {  	v2 =	vadd.f32 v12, v2;
	v21 =	vld [tilespmem:s24+$0x10];
	v18 =	vsub.f32 v6, v0;
	v23 =	vand.u32 $0x7FFFFFFF, v20  }
0x13b: {  	vm1 =	vmmov vm5;
	v12 =	vsub.f32 v22, v0;
	v24 =	vld [tilespmem:s24+$0x20];
	v19 =	vsub.f32 v23, v19  }
0x13c: {  	v3 =	vadd.f32 v16, v3;
	v23 =	vsub.f32 v15, v0;
	v25 =	vmul.f32 v18, v1;
	v18 =	vld.idx.msk [tilespmem:v13+s17+$0x0], $0xffff  }
0x13d: {  	v13 =	vmul.f32 v12, v1;
	v26 =	vsub.f32 v17, v0;
	v12 =	vld.idx.msk [tilespmem:v14+s17+$0x0], $0xffff;
	v14 =	vmul.f32 v19, v19  }
0x13e: {  	vm3 =	veq.f32 v20, $0.0e+00;
	v19 =	vmul.f32 v23, v1;
	v23 =	vmax.f32 v25, $0.0e+00;
	v16 =	vld.idx.msk [tilespmem:v11+s17+$0x0], $0xffff  }
0x13f: {  	v11 =	vmul.f32 v26, v1;
	v20 =	vmin.f32 v23, $9.000000000e+00;
	v14 =	vsel vm3, $0x0, v14  }
0x140: {  	v13 =	vmax.f32 v13, $0.0e+00;
	v20 =	vtrunc.f32 v20;
	v5 =	vadd.f32 v14, v5  }
.Ltmp10:
0x141: {  	v14 =	vmax.f32 v19, $0.0e+00;
	v11 =	vmax.f32 v11, $0.0e+00;
	v19 =	vcvt.f32.s32 v20;
	(pc) =	sbr.rel @p0 .LBB2_22-.Ltmp10, $4  }
0x142: {  	v13 =	vmin.f32 v13, $9.000000000e+00;
	v14 =	vmin.f32 v14, $9.000000000e+00;
	v11 =	vmin.f32 v11, $9.000000000e+00  }
0x143: {  	s25 =	sadd.s32 $0x80, s25;
	v10 =	vsub.f32 v10, v22;
	v13 =	vtrunc.f32 v13;
	v14 =	vtrunc.f32 v14  }
0x144: {  	s28 =	sand.u32 $0x40, s26;
	s29 =	sand.u32 $0x3F00, s25;
	v15 =	vsub.f32 v21, v15;
	v13 =	vcvt.f32.s32 v13;
	v11 =	vtrunc.f32 v11  }
0x145: {  	s26 =	sadd.s32 $0x40, s26;
	v17 =	vsub.f32 v24, v17;
	v14 =	vcvt.f32.s32 v14;
	v11 =	vcvt.f32.s32 v11;
	v20 =	vld [tilespmem:s24+$0x30];
	s24 =	sor.u32 s28, s29  }
0x146: {  	v21 =	vld [tilespmem:s24+$0x4030]  }
0x147: {  	v22 =	vld [tilespmem:s24+$0x4000]  }
0x148: {  	v23 =	vld [tilespmem:s24+$0x4010]  }
0x149: {  	v24 =	vld [tilespmem:s24+$0x4020];
	_ =	sdelay $0x1  }
0x14a: {  	v9 =	vsub.f32 v9, v18  }
0x14b: {  	v8 =	vsub.f32 v8, v12;
	v25 =	vsub.f32 v21, v0  }
0x14c: {  	v26 =	vsub.f32 v22, v0;
	v27 =	vsub.f32 v23, v0  }
0x14d: {  	v9 =	vmul.f32 v9, v9;
	v28 =	vsub.f32 v24, v0;
	v25 =	vmul.f32 v25, v1  }
0x14e: {  	v7 =	vsub.f32 v7, v16;
	v26 =	vmul.f32 v26, v1;
	v27 =	vmul.f32 v27, v1  }
0x14f: {  	v8 =	vmul.f32 v8, v8;
	v28 =	vmul.f32 v28, v1;
	v25 =	vmax.f32 v25, $0.0e+00  }
0x150: {  	v18 =	vld.idx.msk [tilespmem:v19+s17+$0x0], $0xffff;
	v19 =	vmax.f32 v26, $0.0e+00;
	v27 =	vmax.f32 v27, $0.0e+00;
	v25 =	vmin.f32 v25, $9.000000000e+00  }
0x151: {  	v61 =	vld [tilespmem:s24+$0x0];
	v28 =	vmax.f32 v28, $0.0e+00;
	v19 =	vmin.f32 v19, $9.000000000e+00;
	v25 =	vtrunc.f32 v25  }
0x152: {  	v29 =	vld [tilespmem:s24+$0x10];
	v27 =	vmin.f32 v27, $9.000000000e+00;
	v19 =	vtrunc.f32 v19;
	v25 =	vcvt.f32.s32 v25  }
0x153: {  	v30 =	vld [tilespmem:s24+$0x20];
	v28 =	vmin.f32 v28, $9.000000000e+00;
	v27 =	vtrunc.f32 v27;
	v19 =	vcvt.f32.s32 v19  }
0x154: {  	v12 =	vld.idx.msk [tilespmem:v13+s17+$0x0], $0xffff;
	v6 =	vsub.f32 v20, v6;
	v13 =	vtrunc.f32 v28;
	v27 =	vcvt.f32.s32 v27  }
0x155: {  	v16 =	vld [tilespmem:s24+$0x30];
	v7 =	vmul.f32 v7, v7;
	v9 =	vsel vm0, $0x0, v9;
	v13 =	vcvt.f32.s32 v13  }
0x156: {  	v14 =	vld.idx.msk [tilespmem:v14+s17+$0x0], $0xffff;
	vm0 =	vmmov vm2;
	v4 =	vadd.f32 v9, v4;
	v9 =	vand.u32 $0x7FFFFFFF, v6  }
0x157: {  	v11 =	vld.idx.msk [tilespmem:v11+s17+$0x0], $0xffff;
	v8 =	vsel vm1, $0x0, v8;
	vm1 =	veq.f32 v10, $0.0e+00;
	v9 =	vsub.f32 v9, v18  }
0x158: {  	vm2 =	veq.f32 v15, $0.0e+00;
	v7 =	vsel vm0, $0x0, v7;
	v2 =	vadd.f32 v8, v2;
	v20 =	vld.idx.msk [tilespmem:v25+s17+$0x0], $0xffff  }
0x159: {  	vm1 =	vmmov vm1;
	vm0 =	veq.f32 v6, $0.0e+00;
	v6 =	vmul.f32 v9, v9;
	v18 =	vld.idx.msk [tilespmem:v19+s17+$0x0], $0xffff  }
0x15a: {  	vm2 =	vmmov vm2;
	v3 =	vadd.f32 v7, v3;
	v9 =	vand.u32 $0x7FFFFFFF, v10;
	v7 =	vld.idx.msk [tilespmem:v27+s17+$0x0], $0xffff  }
0x15b: {  	v16 =	vsub.f32 v16, v21;
	v9 =	vsub.f32 v9, v12;
	v6 =	vsel vm0, $0x0, v6;
	v8 =	vld.idx.msk [tilespmem:v13+s17+$0x0], $0xffff;
	_ =	swait.ge [sflag:s20], $0x2000  }
0x15c: {  	p0 =	por $0x0, $0x0;
	s24 =	simm.s32 $0x1;
	v10 =	vand.u32 $0x7FFFFFFF, v15;
	v5 =	vadd.f32 v6, v5;
	v6 =	vsub.f32 v30, v24;
	[sflag:s20] =	ssyncset.done $0x0  }
0x15d: {  	s24 =	simm.s32 @!p0 $0x0;
	v15 =	vsub.f32 v61, v22;
	v10 =	vsub.f32 v10, v14;
	v14 =	vand.u32 $0x7FFFFFFF, v16;
	[sflag:s20] =	ssyncadd.s32 $0xFFFFE000  }
0x15e: {  	s24 =	sshll.u32 s24, $0x6;
	vm0 =	veq.f32 v17, $0.0e+00;
	v9 =	vmul.f32 v9, v9;
	v12 =	vand.u32 $0x7FFFFFFF, v6;
	_ =	swait.ge [sflag:s21], $0x2000  }
0x15f: {  	s24 =	sadd.s32 $0x0, s24;
	vm5 =	veq.f32 v6, $0.0e+00;
	v6 =	vmul.f32 v10, v10;
	v13 =	vand.u32 $0x7FFFFFFF, v17;
	[sflag:s21] =	ssyncset.done $0x0  }
0x160: {  	s25 =	sor.u32 $0xB0, s24;
	vm3 =	veq.f32 v15, $0.0e+00;
	vm0 =	vmmov vm0;
	v11 =	vsub.f32 v13, v11;
	[sflag:s21] =	ssyncadd.s32 $0xFFFFE000  }
0x161: {  	v9 =	vsel vm1, $0x0, v9;
	vm1 =	vmmov vm3;
	v6 =	vsel vm2, $0x0, v6;
	v13 =	vld [tilespmem:s25+$0x4000]  }
0x162: {  	v17 =	vsub.f32 v29, v23;
	v11 =	vmul.f32 v11, v11;
	v10 =	vsub.f32 v14, v20  }
0x163: {  	v4 =	vadd.f32 v9, v4;
	v2 =	vadd.f32 v6, v2;
	v19 =	vand.u32 $0x7FFFFFFF, v15  }
0x164: {  	s26 =	sor.u32 $0x80, s24;
	s28 =	sor.u32 $0x90, s24;
	s24 =	sor.u32 $0xA0, s24;
	v22 =	vand.u32 $0x7FFFFFFF, v17;
	v9 =	vmul.f32 v10, v10;
	v10 =	vsel vm0, $0x0, v11  }
0x165: {  	v7 =	vsub.f32 v22, v7;
	vm0 =	veq.f32 v16, $0.0e+00;
	v3 =	vadd.f32 v10, v3;
	v10 =	vld [tilespmem:s24+$0x4000]  }
0x166: {  	v8 =	vsub.f32 v12, v8;
	v6 =	vsel vm0, $0x0, v9;
	v9 =	vld [tilespmem:s28+$0x4000];
	v14 =	vsub.f32 v13, v0  }
0x167: {  	vm2 =	vmmov vm5;
	v16 =	vadd.f32 v6, v5;
	v5 =	vsub.f32 v19, v18  }
0x168: {  	vm4 =	veq.f32 v17, $0.0e+00;
	v11 =	vld [tilespmem:s26+$0x4000];
	v8 =	vmul.f32 v8, v8;
	v6 =	vmul.f32 v14, v1  }
0x169: {  	v7 =	vmul.f32 v7, v7;
	vm0 =	vmmov vm4;
	v5 =	vmul.f32 v5, v5  }
0x16a: {  	v8 =	vsel vm2, $0x0, v8;
	v15 =	vsub.f32 v10, v0;
	v6 =	vmax.f32 v6, $0.0e+00  }
0x16b: {  	v5 =	vsel vm1, $0x0, v5;
	v14 =	vsub.f32 v9, v0;
	v6 =	vmin.f32 v6, $9.000000000e+00  }
0x16c: {  	s29 =	simm.s32 $0x1;
	p0 =	por !p0, !p0;
	v4 =	vadd.f32 v5, v4;
	v5 =	vsel vm0, $0x0, v7;
	v7 =	vld [tilespmem:s26+$0x0];
	v6 =	vtrunc.f32 v6  }
0x16d: {  	s29 =	simm.s32 @!p0 $0x0;
	v12 =	vsub.f32 v11, v0;
	v14 =	vmul.f32 v14, v1;
	v17 =	vcvt.f32.s32 v6  }
0x16e: {  	s30 =	sshll.u32 s29, $0x6;
	v15 =	vmul.f32 v15, v1;
	v5 =	vadd.f32 v5, v2;
	v2 =	vadd.f32 v8, v3;
	v3 =	vld [tilespmem:s24+$0x0]  }
0x16f: {  	s26 =	sadd.s32 $0x80, s30;
	v6 =	vmul.f32 v12, v1;
	v12 =	vld [tilespmem:s28+$0x0];
	v8 =	vmax.f32 v14, $0.0e+00  }
0x170: {  	s31 =	sor.u32 $0x80, s26;
	v14 =	vmax.f32 v15, $0.0e+00;
	v15 =	vld [tilespmem:s25+$0x0];
	v8 =	vmin.f32 v8, $9.000000000e+00  }
0x171: {  	s24 =	sor.u32 $0xB0, s26;
	v20 =	vld [tilespmem:s31+$0x4000];
	v14 =	vmin.f32 v14, $9.000000000e+00;
	v6 =	vmax.f32 v6, $0.0e+00;
	v19 =	vsub.f32 v7, v11  }
0x172: {  	v7 =	vtrunc.f32 v8;
	v8 =	vtrunc.f32 v14;
	v18 =	vmin.f32 v6, $9.000000000e+00;
	v6 =	vld [tilespmem:s24+$0x4000]  }
0x173: {  	s28 =	sor.u32 $0x90, s26;
	s26 =	sor.u32 $0xA0, s26;
	v14 =	vcvt.f32.s32 v7;
	v21 =	vcvt.f32.s32 v8;
	v3 =	vsub.f32 v3, v10;
	v17 =	vld.idx.msk [tilespmem:v17+s17+$0x0], $0xffff  }
0x174: {  	v10 =	vld [tilespmem:s26+$0x4000];
	v18 =	vtrunc.f32 v18;
	v8 =	vand.u32 $0x7FFFFFFF, v19;
	v12 =	vsub.f32 v12, v9  }
0x175: {  	v11 =	vld [tilespmem:s28+$0x4000];
	vm0 =	veq.f32 v19, $0.0e+00;
	v13 =	vsub.f32 v15, v13;
	v7 =	vand.u32 $0x7FFFFFFF, v3  }
0x176: {  	vm2 =	veq.f32 v3, $0.0e+00;
	v15 =	vsub.f32 v20, v0;
	v9 =	vand.u32 $0x7FFFFFFF, v12  }
0x177: {  	vm1 =	veq.f32 v12, $0.0e+00;
	v12 =	vand.u32 $0x7FFFFFFF, v13;
	v3 =	vsub.f32 v6, v0  }
0x178: {  	v18 =	vcvt.f32.s32 v18;
	vm0 =	vmmov vm0;
	v12 =	vsub.f32 v12, v17  }
0x179: {  	v19 =	vmul.f32 v15, v1;
	v22 =	vsub.f32 v10, v0;
	v3 =	vmul.f32 v3, v1  }
0x17a: {  	vm3 =	veq.f32 v13, $0.0e+00;
	v17 =	vsub.f32 v11, v0;
	v12 =	vmul.f32 v12, v12  }
0x17b: {  	v23 =	vld [tilespmem:s31+$0x0];
	vm1 =	vmmov vm1;
	v22 =	vmul.f32 v22, v1;
	v3 =	vmax.f32 v3, $0.0e+00  }
0x17c: {  	v15 =	vld [tilespmem:s28+$0x0];
	v17 =	vmul.f32 v17, v1;
	v3 =	vmin.f32 v3, $9.000000000e+00;
	v12 =	vsel vm3, $0x0, v12  }
0x17d: {  	v13 =	vld [tilespmem:s26+$0x0];
	v19 =	vmax.f32 v19, $0.0e+00;
	v62 =	vtrunc.f32 v3;
	v3 =	vadd.f32 v12, v16  }
0x17e: {  	p0 =	por !p0, !p0;
	s25 =	simm.s32 $0x1;
	v12 =	vld.idx.msk [tilespmem:v18+s17+$0x0], $0xffff;
	v16 =	vmax.f32 v17, $0.0e+00;
	v18 =	vmax.f32 v22, $0.0e+00;
	v17 =	vcvt.f32.s32 v62  }
0x17f: {  	s25 =	simm.s32 @!p0 $0x0;
	v14 =	vld.idx.msk [tilespmem:v14+s17+$0x0], $0xffff;
	v22 =	vmin.f32 v19, $9.000000000e+00;
	v63 =	vmin.f32 v16, $9.000000000e+00;
	v19 =	vmin.f32 v18, $9.000000000e+00  }
0x180: {  	s28 =	sshll.u32 s25, $0x6;
	s25 =	simm.s32 $0xC0;
	s26 =	simm.s32 $0x100;
	v16 =	vld.idx.msk [tilespmem:v21+s17+$0x0], $0xffff;
	v21 =	vtrunc.f32 v22;
	v18 =	vsub.f32 v23, v20;
	v20 =	vtrunc.f32 v63  }
.LBB2_24:
0x181: {  	v21 =	vcvt.f32.s32 v21  }
0x182: {  	p1 =	sne.s32 s25, $0x1FC0;
	s28 =	sadd.s32 s28, s26;
	v11 =	vsub.f32 v15, v11;
	v15 =	vtrunc.f32 v19;
	vm3 =	vmmov vm2  }
0x183: {  	v19 =	vcvt.f32.s32 v20;
	v10 =	vsub.f32 v13, v10;
	s29 =	sor.u32 $0x80, s28;
	s30 =	sor.u32 $0x90, s28;
	v20 =	vcvt.f32.s32 v15;
	v13 =	vld [tilespmem:s24+$0x0];
	s24 =	sor.u32 $0xB0, s28  }
0x184: {  	v12 =	vsub.f32 v8, v12;
	s28 =	sor.u32 $0xA0, s28;
	v8 =	vand.u32 $0x7FFFFFFF, v18;
	v15 =	vld [tilespmem:s24+$0x4000];
	v22 =	vand.u32 $0x7FFFFFFF, v11  }
0x185: {  	v14 =	vsub.f32 v9, v14;
	v16 =	vsub.f32 v7, v16;
	v7 =	vand.u32 $0x7FFFFFFF, v10;
	v17 =	vld.idx.msk [tilespmem:v17+s17+$0x0], $0xffff;
	v9 =	vmovc v22  }
0x186: {  	vm4 =	veq.f32 v18, $0.0e+00;
	vm5 =	veq.f32 v11, $0.0e+00;
	v12 =	vmul.f32 v12, v12;
	v22 =	vld [tilespmem:s29+$0x4000]  }
0x187: {  	vm2 =	veq.f32 v10, $0.0e+00;
	v14 =	vmul.f32 v14, v14;
	v16 =	vmul.f32 v16, v16;
	v11 =	vld [tilespmem:s30+$0x4000]  }
0x188: {  	v10 =	vld [tilespmem:s28+$0x4000];
	v18 =	vsub.f32 v13, v6;
	v13 =	vsel vm0, $0x0, v12;
	vm0 =	vmmov vm4  }
0x189: {  	v12 =	vsel vm1, $0x0, v14;
	v14 =	vsel vm3, $0x0, v16;
	v23 =	vld [tilespmem:s29+$0x0];
	v4 =	vadd.f32 v13, v4;
	v6 =	vmovc v15  }
0x18a: {  	v5 =	vadd.f32 v12, v5;
	v15 =	vld [tilespmem:s30+$0x0];
	v16 =	vsub.f32 v6, v0;
	v24 =	vand.u32 $0x7FFFFFFF, v18  }
0x18b: {  	vm1 =	vmmov vm5;
	v25 =	vsub.f32 v22, v0;
	v13 =	vld [tilespmem:s28+$0x0];
	v17 =	vsub.f32 v24, v17  }
0x18c: {  	v2 =	vadd.f32 v14, v2;
	v24 =	vsub.f32 v11, v0;
	v16 =	vmul.f32 v16, v1;
	v12 =	vld.idx.msk [tilespmem:v21+s17+$0x0], $0xffff  }
0x18d: {  	v21 =	vmul.f32 v25, v1;
	v25 =	vsub.f32 v10, v0;
	v14 =	vld.idx.msk [tilespmem:v19+s17+$0x0], $0xffff;
	v17 =	vmul.f32 v17, v17  }
0x18e: {  	vm3 =	veq.f32 v18, $0.0e+00;
	v19 =	vmul.f32 v24, v1;
	v24 =	vmax.f32 v16, $0.0e+00;
	v16 =	vld.idx.msk [tilespmem:v20+s17+$0x0], $0xffff  }
.Ltmp11:
0x18f: {  	v18 =	vmul.f32 v25, v1;
	v20 =	vmin.f32 v24, $9.000000000e+00;
	v17 =	vsel vm3, $0x0, v17;
	(pc) =	sbr.rel @p1 .LBB2_24-.Ltmp11, $4  }
0x190: {  	v21 =	vmax.f32 v21, $0.0e+00;
	v20 =	vtrunc.f32 v20;
	v3 =	vadd.f32 v17, v3  }
0x191: {  	p0 =	por !p0, !p0;
	s28 =	simm.s32 $0x1;
	v19 =	vmax.f32 v19, $0.0e+00;
	v18 =	vmax.f32 v18, $0.0e+00;
	v17 =	vcvt.f32.s32 v20  }
0x192: {  	s28 =	simm.s32 @!p0 $0x0;
	v20 =	vmin.f32 v21, $9.000000000e+00;
	v24 =	vmin.f32 v19, $9.000000000e+00;
	v19 =	vmin.f32 v18, $9.000000000e+00  }
0x193: {  	s25 =	sadd.s32 $0x40, s25;
	s26 =	sadd.s32 $0x80, s26;
	s28 =	sshll.u32 s28, $0x6;
	v21 =	vtrunc.f32 v20;
	v18 =	vsub.f32 v23, v22;
	v20 =	vtrunc.f32 v24  }
0x194: {  	s25 =	sadd.s32 s28, s26;
	v21 =	vcvt.f32.s32 v21;
	v11 =	vsub.f32 v15, v11  }
0x195: {  	v30 =	vtrunc.f32 v19;
	vm4 =	vmmov vm2;
	v10 =	vsub.f32 v13, v10;
	s26 =	sor.u32 $0x80, s25  }
0x196: {  	v31 =	vcvt.f32.s32 v20;
	v8 =	vsub.f32 v8, v12;
	v9 =	vsub.f32 v9, v14;
	s28 =	sor.u32 $0x90, s25;
	v22 =	vld [tilespmem:s26+$0x4000]  }
0x197: {  	v7 =	vsub.f32 v7, v16;
	v15 =	vcvt.f32.s32 v30;
	v33 =	vand.u32 $0x7FFFFFFF, v18;
	v34 =	vld [tilespmem:s28+$0x4000]  }
0x198: {  	v32 =	vld [tilespmem:s24+$0x0];
	s31 =	sor.u32 $0xB0, s25;
	s25 =	sor.u32 $0xA0, s25;
	vm5 =	veq.f32 v18, $0.0e+00;
	v23 =	vand.u32 $0x7FFFFFFF, v11;
	v24 =	vand.u32 $0x7FFFFFFF, v10  }
0x199: {  	vm3 =	veq.f32 v11, $0.0e+00;
	v8 =	vmul.f32 v8, v8;
	vm13 =	veq.f32 v10, $0.0e+00;
	v36 =	vld [tilespmem:s25+$0x4000]  }
0x19a: {  	v35 =	vld [tilespmem:s31+$0x4000];
	v9 =	vmul.f32 v9, v9;
	v7 =	vmul.f32 v7, v7;
	vm14 =	vmmov vm5  }
0x19b: {  	vm15 =	vmmov vm3;
	vm2 =	vmmov vm13;
	v38 =	vsub.f32 v22, v0  }
0x19c: {  	v8 =	vsel vm0, $0x0, v8;
	v39 =	vsel vm1, $0x0, v9;
	v40 =	vsub.f32 v34, v0  }
0x19d: {  	v7 =	vsel vm4, $0x0, v7;
	v6 =	vsub.f32 v32, v6;
	v16 =	vmul.f32 v38, v1  }
0x19e: {  	v4 =	vadd.f32 v8, v4;
	v43 =	vsub.f32 v36, v0;
	v9 =	vmul.f32 v40, v1  }
0x19f: {  	v46 =	vld [tilespmem:s26+$0x0];
	v5 =	vadd.f32 v39, v5;
	v41 =	vsub.f32 v35, v0;
	v45 =	vmax.f32 v16, $0.0e+00  }
0x1a0: {  	v47 =	vld [tilespmem:s28+$0x0];
	v0 =	vmul.f32 v43, v1;
	v9 =	vmax.f32 v9, $0.0e+00;
	v11 =	vmin.f32 v45, $9.000000000e+00  }
0x1a1: {  	v49 =	vld [tilespmem:s25+$0x0];
	v48 =	vmul.f32 v41, v1;
	v9 =	vmin.f32 v9, $9.000000000e+00;
	v11 =	vtrunc.f32 v11  }
0x1a2: {  	v54 =	vld [tilespmem:s31+$0x0];
	v0 =	vmax.f32 v0, $0.0e+00;
	v9 =	vtrunc.f32 v9;
	v11 =	vcvt.f32.s32 v11  }
0x1a3: {  	v37 =	vld.idx.msk [tilespmem:v17+s17+$0x0], $0xffff;
	v1 =	vmax.f32 v48, $0.0e+00;
	v0 =	vmin.f32 v0, $9.000000000e+00;
	v9 =	vcvt.f32.s32 v9  }
0x1a4: {  	v2 =	vadd.f32 v7, v2;
	v50 =	vld.idx.msk [tilespmem:v21+s17+$0x0], $0xffff;
	v1 =	vmin.f32 v1, $9.000000000e+00;
	v0 =	vtrunc.f32 v0  }
0x1a5: {  	v19 =	vld.idx.msk [tilespmem:v31+s17+$0x0], $0xffff;
	v42 =	vand.u32 $0x7FFFFFFF, v6;
	v1 =	vtrunc.f32 v1;
	v0 =	vcvt.f32.s32 v0  }
0x1a6: {  	v51 =	vld.idx.msk [tilespmem:v15+s17+$0x0], $0xffff;
	v53 =	vsub.f32 v47, v34;
	v10 =	vsub.f32 v49, v36;
	v1 =	vcvt.f32.s32 v1  }
0x1a7: {  	v52 =	vsub.f32 v46, v22;
	vm8 =	veq.f32 v6, $0.0e+00;
	v12 =	vsub.f32 v54, v35  }
0x1a8: {  	v44 =	vsub.f32 v42, v37;
	v55 =	vand.u32 $0x7FFFFFFF, v53;
	v56 =	vand.u32 $0x7FFFFFFF, v10;
	v11 =	vld.idx.msk [tilespmem:v11+s17+$0x0], $0xffff  }
0x1a9: {  	vm9 =	veq.f32 v52, $0.0e+00;
	vm10 =	veq.f32 v53, $0.0e+00;
	v13 =	vsub.f32 v33, v50;
	v9 =	vld.idx.msk [tilespmem:v9+s17+$0x0], $0xffff  }
0x1aa: {  	vm11 =	veq.f32 v10, $0.0e+00;
	v60 =	vand.u32 $0x7FFFFFFF, v12;
	v19 =	vsub.f32 v23, v19  }
0x1ab: {  	v8 =	vmul.f32 v44, v44;
	v7 =	vsub.f32 v24, v51;
	v13 =	vmul.f32 v13, v13;
	v0 =	vld.idx.msk [tilespmem:v0+s17+$0x0], $0xffff  }
0x1ac: {  	vm12 =	vmmov vm9;
	vm13 =	vmmov vm10;
	v57 =	vmul.f32 v19, v19;
	v1 =	vld.idx.msk [tilespmem:v1+s17+$0x0], $0xffff  }
0x1ad: {  	v16 =	vand.u32 $0x7FFFFFFF, v52;
	v7 =	vmul.f32 v7, v7;
	v58 =	vsel vm14, $0x0, v13  }
0x1ae: {  	v6 =	vsel vm15, $0x0, v57;
	v59 =	vsub.f32 v16, v11;
	v9 =	vsub.f32 v55, v9  }
0x1af: {  	v4 =	vadd.f32 v58, v4;
	v7 =	vsel vm2, $0x0, v7;
	v5 =	vadd.f32 v6, v5  }
0x1b0: {  	v0 =	vsub.f32 v56, v0;
	v61 =	vmul.f32 v59, v59;
	v9 =	vmul.f32 v9, v9  }
0x1b1: {  	v8 =	vsel vm8, $0x0, v8;
	v2 =	vadd.f32 v7, v2;
	v1 =	vsub.f32 v60, v1  }
0x1b2: {  	v0 =	vmul.f32 v0, v0;
	v6 =	vsel vm12, $0x0, v61;
	v62 =	vsel vm13, $0x0, v9  }
0x1b3: {  	vm14 =	vmmov vm11;
	v4 =	vadd.f32 v6, v4;
	v5 =	vadd.f32 v62, v5  }
0x1b4: {  	v3 =	vadd.f32 v8, v3;
	v1 =	vmul.f32 v1, v1;
	v0 =	vsel vm14, $0x0, v0  }
0x1b5: {  	vm15 =	veq.f32 v12, $0.0e+00;
	v0 =	vadd.f32 v0, v2;
	v63 =	vadd.f32 v5, v4  }
0x1b6: {  	v1 =	vsel vm15, $0x0, v1  }
0x1b7: {  	v1 =	vadd.f32 v1, v3;
	v0 =	vadd.f32 v0, v63;
	_ =	sdelay $0x1  }
0x1b8: {  	s23 =	sadd.s32 $0x1, s23;
	v0 =	vadd.f32 v1, v0  }
0x1b9: {  	p0 =	sne.s32 s23, s14  }
.Ltmp12:
0x1ba: {  	[tilespmem:$0x8100] =	vst v0;
	(pc) =	sbr.rel @p0 .LBB2_1-.Ltmp12, $4  }
0x1bb: {  	[hbm4b:s13+s4] =	stream.linear.scatter [tilespmem:s22], [sflag:$0x5], $0x80, $0x38;
	[tilespmem:$0x8180] =	vst v63  }
0x1bc: {  	_ =	swait.ge [sflag:s16], $0x80  }
0x1bd: {  	[sflag:s16] =	ssyncset.done $0x0  }
0x1be: {  	[sflag:s16] =	ssyncadd.s32 $0xFFFFFF80  }
0x1bf: {  	_ =	sfence.sel $0x180000  }
0x1c0: {  	[bflag:$0x0] =	sbarrier.arrive $0xFFFF  }
0x1c1: {  	p0 =	sne.s32 s2, $0x0;
	_ =	strace $0x90000047  }
0x1c2: {  	s0 =	sadd.s32 @!p0 $0x100000, s0;
	[bflag:$0x2] =	sbarrier.arrive $0xFFFF  }
0x1c3: {  	[sflag:s0] =	ssyncadd.tile.s32 @!p0 $0x1;
	_ =	shalt  }
.Lfunc_end2:
_tile_overlayer_lowered:
.L_overlay_start_2:
0x1c4: {  	(tag) =	ssettag $0x2  }
0x1c5: {  	s0 =	rddreg [dreg:$0x0];
	s2 =	stileid.u32  }
0x1c6: {  	s1 =	rddreg [dreg:$0x1];
	p0 =	sne.s32 s2, $0x0  }
0x1c7: {  	s3 =	rddreg [dreg:$0x2];
	[bflag:$0x3] =	sbarrier.arrive $0xFFFF;
	s2 =	simm.s32 @!p0 $0x1C05  }
0x1c8: {  	[timem:s3], [sflag:s2] =	dma.local @!p0 [hbm:s0], s1  }
0x1c9: {  	s0 =	simm.s32 @!p0 $0x5  }
0x1ca: {  	_ =	swait.ge @!p0 [sflag:s0], s1  }
0x1cb: {  	s1 =	ssub.s32 @!p0 $0x0, s1;
	[sflag:s0] =	ssyncset.done @!p0 $0x0  }
0x1cc: {  	[sflag:s0] =	ssyncadd.s32 @!p0 s1  }
0x1cd: {  	[bflag:$0x3] =	sbarrier.arrive $0xFFFF  }
0x1ce: {  	_ =	shalt  }

</sc_bundles>
